<compile_context>
chip_gen: v7x
topology: tpu7x:2x2x1
jax: 0.10.2.dev20260603
libtpu: 0.0.44.dev20260713+nightly
codegen_flags: <defaults>
</compile_context>

<pallas_src>
import functools

import jax
import jax.numpy as jnp
from jax.experimental import pallas as pl
from jax.experimental.pallas import tpu as pltpu
from jax.experimental.pallas import tpu_sc as plsc

NE = 8
TB = 256
SCW = 64
RB = 1024

_HI = jax.lax.Precision.HIGHEST


def _router_body(xf_ref, wsw_ref, bsw_ref,
                 ps_ref, pmax_ref, cnt_ref, psum_ref, dest_ref, bexp_ref,
                 oh_ref):
    c = pl.program_id(0)
    nc = pl.num_programs(0)
    T = oh_ref.shape[0]
    nblk = bexp_ref.shape[0]
    xf = xf_ref[...]
    logits = jax.lax.dot_general(
        xf, wsw_ref[...], (((1,), (1,)), ((), ())),
        preferred_element_type=jnp.float32,
        precision=jax.lax.Precision.DEFAULT)
    logits = logits + bsw_ref[...]
    probs = jax.nn.softmax(logits, axis=-1)
    pmax = jnp.max(probs, axis=-1, keepdims=True)
    lane = jax.lax.broadcasted_iota(jnp.int32, (RB, NE), 1)
    ridx = jnp.min(jnp.where(probs == pmax, lane, NE), axis=-1, keepdims=True)
    onehot = (lane == ridx).astype(jnp.float32)
    oh_ref[pl.ds(c * RB, RB), :] = onehot
    pmax_ref[...] = pmax
    ps_ref[...] = jnp.broadcast_to(pmax, (RB, 128))

    @pl.when(c == 0)
    def _():
        cnt_ref[...] = jnp.zeros_like(cnt_ref)
        psum_ref[...] = jnp.zeros_like(psum_ref)

    cnt_ref[...] += jnp.sum(onehot, axis=0, keepdims=True)
    psum_ref[...] += jnp.sum(probs, axis=0, keepdims=True)

    @pl.when(c == nc - 1)
    def _():
        cnt = cnt_ref[...]
        padded = jnp.ceil(cnt * (1.0 / TB)) * TB
        ei = jax.lax.broadcasted_iota(jnp.int32, (NE, NE), 0)
        ej = jax.lax.broadcasted_iota(jnp.int32, (NE, NE), 1)
        mlow = (ej < ei).astype(jnp.float32)
        pad_start = jax.lax.dot_general(
            padded, mlow, (((1,), (1,)), ((), ())),
            preferred_element_type=jnp.float32, precision=_HI)

        bstart = (jax.lax.broadcasted_iota(jnp.int32, (nblk, NE), 0) * TB
                  ).astype(jnp.float32)
        bexp_ref[...] = (jnp.sum((pad_start <= bstart).astype(jnp.int32),
                                 axis=1, keepdims=True) - 1)

        tri = (jax.lax.broadcasted_iota(jnp.int32, (TB, TB), 1) <
               jax.lax.broadcasted_iota(jnp.int32, (TB, TB), 0)
               ).astype(jnp.float32)
        acc = jnp.zeros((1, NE), jnp.float32)
        for k in range(T // TB):
            oh = oh_ref[k * TB:(k + 1) * TB, :]
            cum = jax.lax.dot_general(
                tri, oh, (((1,), (0,)), ((), ())),
                preferred_element_type=jnp.float32, precision=_HI)
            pos = pad_start + acc + cum
            dest_k = jnp.sum(oh * pos, axis=1, keepdims=True)
            dest_ref[k * TB:(k + 1) * TB, :] = dest_k.astype(jnp.int32)
            acc = acc + jnp.sum(oh, axis=0, keepdims=True)


def _router_call(xf, wsw, bsw2, nblk):
    T, D = xf.shape
    return pl.pallas_call(
        _router_body,
        grid=(T // RB,),
        in_specs=[
            pl.BlockSpec((RB, D), lambda c: (c, 0)),
            pl.BlockSpec((NE, D), lambda c: (0, 0)),
            pl.BlockSpec((1, NE), lambda c: (0, 0)),
        ],
        out_specs=[
            pl.BlockSpec((RB, 128), lambda c: (c, 0)),
            pl.BlockSpec((RB, 1), lambda c: (c, 0)),
            pl.BlockSpec((1, NE), lambda c: (0, 0)),
            pl.BlockSpec((1, NE), lambda c: (0, 0)),
            pl.BlockSpec((T, 1), lambda c: (0, 0)),
            pl.BlockSpec((nblk, 1), lambda c: (0, 0)),
        ],
        out_shape=(
            jax.ShapeDtypeStruct((T, 128), jnp.float32),
            jax.ShapeDtypeStruct((T, 1), jnp.float32),
            jax.ShapeDtypeStruct((1, NE), jnp.float32),
            jax.ShapeDtypeStruct((1, NE), jnp.float32),
            jax.ShapeDtypeStruct((T, 1), jnp.int32),
            jax.ShapeDtypeStruct((nblk, 1), jnp.int32),
        ),
        scratch_shapes=[pltpu.VMEM((T, NE), jnp.float32)],
    )(xf, wsw, bsw2)


def _expert_body(bexp_ref, xs_ref, ps_ref, w_ref, b_ref, ys_ref):
    x = xs_ref[...] * ps_ref[...][:, 0:1]
    w0 = w_ref[0, 0]
    w1 = w_ref[0, 1]
    h = jax.lax.dot_general(x, w0, (((1,), (1,)), ((), ())),
                            preferred_element_type=jnp.float32,
                            precision=jax.lax.Precision.DEFAULT)
    h = h + b_ref[0, 0]
    y = jax.lax.dot_general(h, w1, (((1,), (1,)), ((), ())),
                            preferred_element_type=jnp.float32,
                            precision=jax.lax.Precision.DEFAULT)
    ys_ref[...] = y + b_ref[0, 1]


def _expert_call(bexp, xsp, psp, We, be, nblk):
    padt, D = xsp.shape
    grid_spec = pltpu.PrefetchScalarGridSpec(
        num_scalar_prefetch=1,
        grid=(nblk,),
        in_specs=[
            pl.BlockSpec((TB, D), lambda i, bexp_ref: (i, 0)),
            pl.BlockSpec((TB, 128), lambda i, bexp_ref: (i, 0)),
            pl.BlockSpec((1, 2, D, D), lambda i, bexp_ref: (bexp_ref[i], 0, 0, 0)),
            pl.BlockSpec((1, 2, D), lambda i, bexp_ref: (bexp_ref[i], 0, 0)),
        ],
        out_specs=pl.BlockSpec((TB, D), lambda i, bexp_ref: (i, 0)),
    )
    return pl.pallas_call(
        _expert_body,
        grid_spec=grid_spec,
        out_shape=jax.ShapeDtypeStruct((padt, D), jnp.float32),
    )(bexp, xsp, psp, We, be)


_NC, _NS = 2, 16
_NW = _NC * _NS


def _sc_scatter(xsrc, ps, idx1d, padt):
    T, D = xsrc.shape
    bpw = T // _NW
    mesh = plsc.VectorSubcoreMesh(core_axis_name="c", subcore_axis_name="s")

    @functools.partial(
        pl.kernel,
        out_type=(jax.ShapeDtypeStruct((padt, D), xsrc.dtype),
                  jax.ShapeDtypeStruct((padt, 128), jnp.float32)),
        mesh=mesh,
        scratch_types=[pltpu.VMEM((SCW,), jnp.int32),
                       pltpu.VMEM((SCW, D), jnp.float32),
                       pltpu.VMEM((SCW, 128), jnp.float32),
                       pltpu.SemaphoreType.DMA,
                       pltpu.SemaphoreType.DMA])
    def run(x_hbm, p_hbm, i_hbm, o_hbm, op_hbm, idx_v, rows_v, prow_v,
            sem, sem2):
        wid = jax.lax.axis_index("s") * _NC + jax.lax.axis_index("c")
        base = wid * bpw

        @pl.loop(0, bpw, step=SCW)
        def _(off):
            pltpu.sync_copy(i_hbm.at[pl.ds(base + off, SCW)], idx_v)
            pltpu.sync_copy(x_hbm.at[pl.ds(base + off, SCW)], rows_v)
            pltpu.sync_copy(p_hbm.at[pl.ds(base + off, SCW)], prow_v)
            cp1 = pltpu.async_copy(rows_v, o_hbm.at[idx_v], sem)
            cp2 = pltpu.async_copy(prow_v, op_hbm.at[idx_v], sem2)
            cp1.wait()
            cp2.wait()

    return run(xsrc, ps, idx1d)


def _sc_gather(ys, idx1d, T):
    _, D = ys.shape
    bpw = T // _NW
    mesh = plsc.VectorSubcoreMesh(core_axis_name="c", subcore_axis_name="s")

    @functools.partial(
        pl.kernel,
        out_type=jax.ShapeDtypeStruct((T, D), ys.dtype),
        mesh=mesh,
        scratch_types=[pltpu.VMEM((SCW,), jnp.int32),
                       pltpu.VMEM((SCW, D), jnp.float32),
                       pltpu.SemaphoreType.DMA])
    def run(y_hbm, i_hbm, o_hbm, idx_v, rows_v, sem):
        wid = jax.lax.axis_index("s") * _NC + jax.lax.axis_index("c")
        base = wid * bpw

        @pl.loop(0, bpw, step=SCW)
        def _(off):
            pltpu.sync_copy(i_hbm.at[pl.ds(base + off, SCW)], idx_v)
            pltpu.async_copy(y_hbm.at[idx_v], rows_v, sem).wait()
            pltpu.sync_copy(rows_v, o_hbm.at[pl.ds(base + off, SCW)])

    return run(ys, idx1d)


def kernel(x, Wsw, bsw, We, be):
    S, Bb, D = x.shape
    T = S * Bb
    nblk = T // TB + NE
    xf = x.reshape(T, D)
    ps, pmax, cnt, psum, dest, bexp = _router_call(
        xf, Wsw, bsw.reshape(1, NE), nblk)
    idx1d = dest.reshape(T)
    xsp, psp = _sc_scatter(xf, ps, idx1d, nblk * TB)
    ys = _expert_call(bexp.reshape(nblk), xsp, psp, We, be, nblk)
    outf = _sc_gather(ys, idx1d, T)
    out = outf.reshape(S, Bb, D)
    n_dropped = jnp.array(0, dtype=jnp.int32)
    return (out, cnt.reshape(NE), psum.reshape(NE), n_dropped, pmax.reshape(T))

# --- scband reference (transcript-rebuilt; emitter-appended) ---
"""Pipeline reference for scband-experts-36034775614075 (READ-ONLY COPY).

The authoritative reference and input builder live on the scoring server;
editing this copy changes nothing except your own understanding.
"""

import jax, jax.numpy as jnp
import numpy as np

N_EXPERTS = 8
DEPTH = 2
D = 1024
SEQ = 2048
B = 2


def setup_inputs(seed: int = 0) -> dict:
    key = jax.random.key(seed)
    ks = jax.random.split(key, 5)
    x = jax.random.normal(ks[0], (SEQ, B, D), dtype=jnp.float32)
    Wsw = jax.random.normal(ks[1], (N_EXPERTS, D), dtype=jnp.float32) * 0.02
    bsw = jnp.zeros((N_EXPERTS,), dtype=jnp.float32)
    We = jax.random.normal(ks[2], (N_EXPERTS, DEPTH, D, D), dtype=jnp.float32) * 0.02
    be = jnp.zeros((N_EXPERTS, DEPTH, D), dtype=jnp.float32)
    return {"x": x, "Wsw": Wsw, "bsw": bsw, "We": We, "be": be}


def reference(x, Wsw, bsw, We, be):
    S, Bb, Dm = x.shape
    xf = x.reshape(-1, Dm)
    T = xf.shape[0]
    # switch router: softmax(Linear(x))
    logits = xf @ Wsw.T + bsw
    route_prob = jax.nn.softmax(logits, axis=-1)
    route_prob_max = jnp.max(route_prob, axis=-1)
    route_idx = jnp.argmax(route_prob, axis=-1)
    counts = jnp.bincount(route_idx, length=N_EXPERTS).astype(jnp.float32)
    # apply every expert (stack of DEPTH linear layers) to all tokens, then
    # gather the routed expert's output per token (drop_tokens=False, so no
    # capacity dropping; result is mathematically identical to the torch code)
    h = jnp.broadcast_to(xf[None], (N_EXPERTS, T, Dm))
    for l in range(DEPTH):
        h = jnp.einsum('etd,efd->etf', h, We[:, l]) + be[:, l][:, None, :]
    out = h[route_idx, jnp.arange(T), :]
    # is_scale_prob=True: scale by max routing probability
    out = out * route_prob_max[:, None]
    out = out.reshape(S, Bb, Dm)
    n_dropped = jnp.array(0, dtype=jnp.int32)
    return (out, counts, route_prob.sum(0), n_dropped, route_prob_max)

if __name__ == "__main__":
    import jax
    _d = setup_inputs()
    print(jax.jit(kernel)(*tuple(_d.values())))

</pallas_src>

<mosaic_0001>
#map = affine_map<(d0, d1) -> (0, 0)>
#map1 = affine_map<(d0, d1) -> (0)>
module attributes {stable_mosaic.version = 14 : i64} {
  func.func @run(%arg0: i32, %arg1: i32, %arg2: memref<6144x1024xf32, #tpu.memory_space<hbm>>, %arg3: memref<4096xi32, #tpu.memory_space<hbm>>, %arg4: memref<4096x1024xf32, #tpu.memory_space<hbm>>, %arg5: memref<64xi32, #tpu.memory_space<vmem>>, %arg6: memref<64x1024xf32, #tpu.memory_space<vmem>>, %arg7: memref<!tpu.dma_semaphore, #tpu.memory_space<semaphore_mem>>) attributes {dimension_semantics = [#tpu.dimension_semantics<core_parallel>, #tpu.dimension_semantics<subcore_parallel>], iteration_bounds = array<i64: 2, 16>, scalar_prefetch = 0 : i64, scratch_operands = 3 : i64, tpu.core_type = #tpu.core_type<sc_vector_subcore>, window_params = [{transform_indices = #map}, {transform_indices = #map1}, {transform_indices = #map}]} {
    %mul3A = arith.constant 2 : i32
    %mul3A_0 = arith.muli %arg1, %mul3A : i32
    %add3A = arith.addi %mul3A_0, %arg0 : i32
    %mul3A_1 = arith.constant 128 : i32
    %mul3A_2 = arith.muli %add3A, %mul3A_1 : i32
    %scan3A = arith.constant 0 : i32
    %scan3A_3 = arith.constant 2 : i32
    %scan3A_4 = arith.addi %scan3A, %scan3A_3 : i32
    %scan3A_5 = arith.constant 1 : i32
    scf.for %scan3A_7 = %scan3A to %scan3A_4 step %scan3A_5  : i32 {
      %mul3A_8 = arith.constant 64 : i32
      %mul3A_9 = arith.muli %scan3A_7, %mul3A_8 : i32
      %add3A_10 = arith.constant 0 : i32
      %add3A_11 = arith.addi %add3A_10, %mul3A_9 : i32
      %add3A_12 = arith.addi %mul3A_2, %add3A_11 : i32
      "tpu.region"() ({
        %run_scoped3A = tpu.sem_alloc : memref<!tpu.dma_semaphore, #tpu.memory_space<semaphore_mem>>
        %dma_start3A_18 = tpu.memref_slice %arg3[%add3A_12] : memref<4096xi32, #tpu.memory_space<hbm>> -> memref<64xi32, #tpu.memory_space<hbm>>
        %dma_start3A_19 = tpu.memref_slice %arg3[%add3A_12] : memref<4096xi32, #tpu.memory_space<hbm>> -> memref<64xi32, #tpu.memory_space<hbm>>
        tpu.enqueue_dma source(%dma_start3A_19 : memref<64xi32, #tpu.memory_space<hbm>>) target(%arg5 : memref<64xi32, #tpu.memory_space<vmem>>) target_semaphore(%run_scoped3A : memref<!tpu.dma_semaphore, #tpu.memory_space<semaphore_mem>>)
        %dma_wait3A_20 = tpu.memref_slice %arg3[%add3A_12] : memref<4096xi32, #tpu.memory_space<hbm>> -> memref<64xi32, #tpu.memory_space<hbm>>
        %dma_wait3A_21 = tpu.memref_slice %arg3[%add3A_12] : memref<4096xi32, #tpu.memory_space<hbm>> -> memref<64xi32, #tpu.memory_space<hbm>>
        tpu.wait_dma2 semaphore(%run_scoped3A : memref<!tpu.dma_semaphore, #tpu.memory_space<semaphore_mem>>) src(%dma_wait3A_21 : memref<64xi32, #tpu.memory_space<hbm>>) dst(%arg5 : memref<64xi32, #tpu.memory_space<vmem>>)
        tpu.yield
      }) : () -> ()
      %dma_start3A = arith.constant 0 : i32
      %dma_start3A_13 = arith.constant 0 : i32
      %dma_start3A_14 = tpu.memref_slice %arg2[%dma_start3A, %dma_start3A_13] : memref<6144x1024xf32, #tpu.memory_space<hbm>> -> memref<6144x1024xf32, #tpu.memory_space<hbm>>
      tpu.enqueue_indirect_dma source(%dma_start3A_14 : memref<6144x1024xf32, #tpu.memory_space<hbm>>) target(%arg6 : memref<64x1024xf32, #tpu.memory_space<vmem>>) offsets(%arg5 : memref<64xi32, #tpu.memory_space<vmem>>) semaphore(%arg7 : memref<!tpu.dma_semaphore, #tpu.memory_space<semaphore_mem>>)
      %dma_wait3A = arith.constant 0 : i32
      %dma_wait3A_15 = arith.constant 0 : i32
      %dma_wait3A_16 = tpu.memref_slice %arg2[%dma_wait3A, %dma_wait3A_15] : memref<6144x1024xf32, #tpu.memory_space<hbm>> -> memref<6144x1024xf32, #tpu.memory_space<hbm>>
      tpu.wait_indirect_dma semaphore(%arg7 : memref<!tpu.dma_semaphore, #tpu.memory_space<semaphore_mem>>) src(%dma_wait3A_16 : memref<6144x1024xf32, #tpu.memory_space<hbm>>) dst(%arg6 : memref<64x1024xf32, #tpu.memory_space<vmem>>)
      %add3A_17 = arith.addi %mul3A_2, %add3A_11 : i32
      "tpu.region"() ({
        %run_scoped3A = tpu.sem_alloc : memref<!tpu.dma_semaphore, #tpu.memory_space<semaphore_mem>>
        %dma_start3A_18 = arith.constant 0 : i32
        %dma_start3A_19 = tpu.memref_slice %arg4[%add3A_17, %dma_start3A_18] : memref<4096x1024xf32, #tpu.memory_space<hbm>> -> memref<64x1024xf32, #tpu.memory_space<hbm>>
        %dma_start3A_20 = arith.constant 0 : i32
        %dma_start3A_21 = tpu.memref_slice %arg4[%add3A_17, %dma_start3A_20] : memref<4096x1024xf32, #tpu.memory_space<hbm>> -> memref<64x1024xf32, #tpu.memory_space<hbm>>
        tpu.enqueue_dma source(%arg6 : memref<64x1024xf32, #tpu.memory_space<vmem>>) target(%dma_start3A_21 : memref<64x1024xf32, #tpu.memory_space<hbm>>) target_semaphore(%run_scoped3A : memref<!tpu.dma_semaphore, #tpu.memory_space<semaphore_mem>>)
        %dma_wait3A_22 = arith.constant 0 : i32
        %dma_wait3A_23 = tpu.memref_slice %arg4[%add3A_17, %dma_wait3A_22] : memref<4096x1024xf32, #tpu.memory_space<hbm>> -> memref<64x1024xf32, #tpu.memory_space<hbm>>
        %dma_wait3A_24 = arith.constant 0 : i32
        %dma_wait3A_25 = tpu.memref_slice %arg4[%add3A_17, %dma_wait3A_24] : memref<4096x1024xf32, #tpu.memory_space<hbm>> -> memref<64x1024xf32, #tpu.memory_space<hbm>>
        tpu.wait_dma2 semaphore(%run_scoped3A : memref<!tpu.dma_semaphore, #tpu.memory_space<semaphore_mem>>) src(%arg6 : memref<64x1024xf32, #tpu.memory_space<vmem>>) dst(%dma_wait3A_25 : memref<64x1024xf32, #tpu.memory_space<hbm>>)
        tpu.yield
      }) : () -> ()
    }
    %scan3A_6 = arith.constant 2 : i32
    return
  }
}

#map = affine_map<(d0, d1) -> (0, 0)>
#map1 = affine_map<(d0, d1) -> (0)>
module attributes {stable_mosaic.version = 14 : i64} {
  func.func @run(%arg0: i32, %arg1: i32, %arg2: memref<4096x1024xf32, #tpu.memory_space<hbm>>, %arg3: memref<4096x128xf32, #tpu.memory_space<hbm>>, %arg4: memref<4096xi32, #tpu.memory_space<hbm>>, %arg5: memref<6144x1024xf32, #tpu.memory_space<hbm>>, %arg6: memref<6144x128xf32, #tpu.memory_space<hbm>>, %arg7: memref<64xi32, #tpu.memory_space<vmem>>, %arg8: memref<64x1024xf32, #tpu.memory_space<vmem>>, %arg9: memref<64x128xf32, #tpu.memory_space<vmem>>, %arg10: memref<!tpu.dma_semaphore, #tpu.memory_space<semaphore_mem>>, %arg11: memref<!tpu.dma_semaphore, #tpu.memory_space<semaphore_mem>>) attributes {dimension_semantics = [#tpu.dimension_semantics<core_parallel>, #tpu.dimension_semantics<subcore_parallel>], iteration_bounds = array<i64: 2, 16>, scalar_prefetch = 0 : i64, scratch_operands = 5 : i64, tpu.core_type = #tpu.core_type<sc_vector_subcore>, window_params = [{transform_indices = #map}, {transform_indices = #map}, {transform_indices = #map1}, {transform_indices = #map}, {transform_indices = #map}]} {
    %mul3A = arith.constant 2 : i32
    %mul3A_0 = arith.muli %arg1, %mul3A : i32
    %add3A = arith.addi %mul3A_0, %arg0 : i32
    %mul3A_1 = arith.constant 128 : i32
    %mul3A_2 = arith.muli %add3A, %mul3A_1 : i32
    %scan3A = arith.constant 0 : i32
    %scan3A_3 = arith.constant 2 : i32
    %scan3A_4 = arith.addi %scan3A, %scan3A_3 : i32
    %scan3A_5 = arith.constant 1 : i32
    scf.for %scan3A_7 = %scan3A to %scan3A_4 step %scan3A_5  : i32 {
      %mul3A_8 = arith.constant 64 : i32
      %mul3A_9 = arith.muli %scan3A_7, %mul3A_8 : i32
      %add3A_10 = arith.constant 0 : i32
      %add3A_11 = arith.addi %add3A_10, %mul3A_9 : i32
      %add3A_12 = arith.addi %mul3A_2, %add3A_11 : i32
      "tpu.region"() ({
        %run_scoped3A = tpu.sem_alloc : memref<!tpu.dma_semaphore, #tpu.memory_space<semaphore_mem>>
        %dma_start3A_25 = tpu.memref_slice %arg4[%add3A_12] : memref<4096xi32, #tpu.memory_space<hbm>> -> memref<64xi32, #tpu.memory_space<hbm>>
        %dma_start3A_26 = tpu.memref_slice %arg4[%add3A_12] : memref<4096xi32, #tpu.memory_space<hbm>> -> memref<64xi32, #tpu.memory_space<hbm>>
        tpu.enqueue_dma source(%dma_start3A_26 : memref<64xi32, #tpu.memory_space<hbm>>) target(%arg7 : memref<64xi32, #tpu.memory_space<vmem>>) target_semaphore(%run_scoped3A : memref<!tpu.dma_semaphore, #tpu.memory_space<semaphore_mem>>)
        %dma_wait3A_27 = tpu.memref_slice %arg4[%add3A_12] : memref<4096xi32, #tpu.memory_space<hbm>> -> memref<64xi32, #tpu.memory_space<hbm>>
        %dma_wait3A_28 = tpu.memref_slice %arg4[%add3A_12] : memref<4096xi32, #tpu.memory_space<hbm>> -> memref<64xi32, #tpu.memory_space<hbm>>
        tpu.wait_dma2 semaphore(%run_scoped3A : memref<!tpu.dma_semaphore, #tpu.memory_space<semaphore_mem>>) src(%dma_wait3A_28 : memref<64xi32, #tpu.memory_space<hbm>>) dst(%arg7 : memref<64xi32, #tpu.memory_space<vmem>>)
        tpu.yield
      }) : () -> ()
      %add3A_13 = arith.addi %mul3A_2, %add3A_11 : i32
      "tpu.region"() ({
        %run_scoped3A = tpu.sem_alloc : memref<!tpu.dma_semaphore, #tpu.memory_space<semaphore_mem>>
        %dma_start3A_25 = arith.constant 0 : i32
        %dma_start3A_26 = tpu.memref_slice %arg2[%add3A_13, %dma_start3A_25] : memref<4096x1024xf32, #tpu.memory_space<hbm>> -> memref<64x1024xf32, #tpu.memory_space<hbm>>
        %dma_start3A_27 = arith.constant 0 : i32
        %dma_start3A_28 = tpu.memref_slice %arg2[%add3A_13, %dma_start3A_27] : memref<4096x1024xf32, #tpu.memory_space<hbm>> -> memref<64x1024xf32, #tpu.memory_space<hbm>>
        tpu.enqueue_dma source(%dma_start3A_28 : memref<64x1024xf32, #tpu.memory_space<hbm>>) target(%arg8 : memref<64x1024xf32, #tpu.memory_space<vmem>>) target_semaphore(%run_scoped3A : memref<!tpu.dma_semaphore, #tpu.memory_space<semaphore_mem>>)
        %dma_wait3A_29 = arith.constant 0 : i32
        %dma_wait3A_30 = tpu.memref_slice %arg2[%add3A_13, %dma_wait3A_29] : memref<4096x1024xf32, #tpu.memory_space<hbm>> -> memref<64x1024xf32, #tpu.memory_space<hbm>>
        %dma_wait3A_31 = arith.constant 0 : i32
        %dma_wait3A_32 = tpu.memref_slice %arg2[%add3A_13, %dma_wait3A_31] : memref<4096x1024xf32, #tpu.memory_space<hbm>> -> memref<64x1024xf32, #tpu.memory_space<hbm>>
        tpu.wait_dma2 semaphore(%run_scoped3A : memref<!tpu.dma_semaphore, #tpu.memory_space<semaphore_mem>>) src(%dma_wait3A_32 : memref<64x1024xf32, #tpu.memory_space<hbm>>) dst(%arg8 : memref<64x1024xf32, #tpu.memory_space<vmem>>)
        tpu.yield
      }) : () -> ()
      %add3A_14 = arith.addi %mul3A_2, %add3A_11 : i32
      "tpu.region"() ({
        %run_scoped3A = tpu.sem_alloc : memref<!tpu.dma_semaphore, #tpu.memory_space<semaphore_mem>>
        %dma_start3A_25 = arith.constant 0 : i32
        %dma_start3A_26 = tpu.memref_slice %arg3[%add3A_14, %dma_start3A_25] : memref<4096x128xf32, #tpu.memory_space<hbm>> -> memref<64x128xf32, #tpu.memory_space<hbm>>
        %dma_start3A_27 = arith.constant 0 : i32
        %dma_start3A_28 = tpu.memref_slice %arg3[%add3A_14, %dma_start3A_27] : memref<4096x128xf32, #tpu.memory_space<hbm>> -> memref<64x128xf32, #tpu.memory_space<hbm>>
        tpu.enqueue_dma source(%dma_start3A_28 : memref<64x128xf32, #tpu.memory_space<hbm>>) target(%arg9 : memref<64x128xf32, #tpu.memory_space<vmem>>) target_semaphore(%run_scoped3A : memref<!tpu.dma_semaphore, #tpu.memory_space<semaphore_mem>>)
        %dma_wait3A_29 = arith.constant 0 : i32
        %dma_wait3A_30 = tpu.memref_slice %arg3[%add3A_14, %dma_wait3A_29] : memref<4096x128xf32, #tpu.memory_space<hbm>> -> memref<64x128xf32, #tpu.memory_space<hbm>>
        %dma_wait3A_31 = arith.constant 0 : i32
        %dma_wait3A_32 = tpu.memref_slice %arg3[%add3A_14, %dma_wait3A_31] : memref<4096x128xf32, #tpu.memory_space<hbm>> -> memref<64x128xf32, #tpu.memory_space<hbm>>
        tpu.wait_dma2 semaphore(%run_scoped3A : memref<!tpu.dma_semaphore, #tpu.memory_space<semaphore_mem>>) src(%dma_wait3A_32 : memref<64x128xf32, #tpu.memory_space<hbm>>) dst(%arg9 : memref<64x128xf32, #tpu.memory_space<vmem>>)
        tpu.yield
      }) : () -> ()
      %dma_start3A = arith.constant 0 : i32
      %dma_start3A_15 = arith.constant 0 : i32
      %dma_start3A_16 = tpu.memref_slice %arg5[%dma_start3A, %dma_start3A_15] : memref<6144x1024xf32, #tpu.memory_space<hbm>> -> memref<6144x1024xf32, #tpu.memory_space<hbm>>
      tpu.enqueue_indirect_dma source(%arg8 : memref<64x1024xf32, #tpu.memory_space<vmem>>) target(%dma_start3A_16 : memref<6144x1024xf32, #tpu.memory_space<hbm>>) offsets(%arg7 : memref<64xi32, #tpu.memory_space<vmem>>) semaphore(%arg10 : memref<!tpu.dma_semaphore, #tpu.memory_space<semaphore_mem>>)
      %dma_start3A_17 = arith.constant 0 : i32
      %dma_start3A_18 = arith.constant 0 : i32
      %dma_start3A_19 = tpu.memref_slice %arg6[%dma_start3A_17, %dma_start3A_18] : memref<6144x128xf32, #tpu.memory_space<hbm>> -> memref<6144x128xf32, #tpu.memory_space<hbm>>
      tpu.enqueue_indirect_dma source(%arg9 : memref<64x128xf32, #tpu.memory_space<vmem>>) target(%dma_start3A_19 : memref<6144x128xf32, #tpu.memory_space<hbm>>) offsets(%arg7 : memref<64xi32, #tpu.memory_space<vmem>>) semaphore(%arg11 : memref<!tpu.dma_semaphore, #tpu.memory_space<semaphore_mem>>)
      %dma_wait3A = arith.constant 0 : i32
      %dma_wait3A_20 = arith.constant 0 : i32
      %dma_wait3A_21 = tpu.memref_slice %arg5[%dma_wait3A, %dma_wait3A_20] : memref<6144x1024xf32, #tpu.memory_space<hbm>> -> memref<6144x1024xf32, #tpu.memory_space<hbm>>
      tpu.wait_indirect_dma semaphore(%arg10 : memref<!tpu.dma_semaphore, #tpu.memory_space<semaphore_mem>>) src(%arg8 : memref<64x1024xf32, #tpu.memory_space<vmem>>) dst(%dma_wait3A_21 : memref<6144x1024xf32, #tpu.memory_space<hbm>>)
      %dma_wait3A_22 = arith.constant 0 : i32
      %dma_wait3A_23 = arith.constant 0 : i32
      %dma_wait3A_24 = tpu.memref_slice %arg6[%dma_wait3A_22, %dma_wait3A_23] : memref<6144x128xf32, #tpu.memory_space<hbm>> -> memref<6144x128xf32, #tpu.memory_space<hbm>>
      tpu.wait_indirect_dma semaphore(%arg11 : memref<!tpu.dma_semaphore, #tpu.memory_space<semaphore_mem>>) src(%arg9 : memref<64x128xf32, #tpu.memory_space<vmem>>) dst(%dma_wait3A_24 : memref<6144x128xf32, #tpu.memory_space<hbm>>)
    }
    %scan3A_6 = arith.constant 2 : i32
    return
  }
}

module attributes {stable_mosaic.version = 14 : i64} {
  func.func @_expert_body(%arg0: i32, %arg1: memref<24xi32, #tpu.memory_space<smem>>, %arg2: memref<256x1024xf32, #tpu.memory_space<vmem>>, %arg3: memref<256x128xf32, #tpu.memory_space<vmem>>, %arg4: memref<1x2x1024x1024xf32, #tpu.memory_space<vmem>>, %arg5: memref<1x2x1024xf32, #tpu.memory_space<vmem>>, %arg6: memref<256x1024xf32, #tpu.memory_space<vmem>>) attributes {dimension_semantics = [#tpu.dimension_semantics<arbitrary>], iteration_bounds = array<i64: 24>, scalar_prefetch = 1 : i64, scratch_operands = 0 : i64, tpu.core_type = #tpu.core_type<tc>, window_params = [{transform_indices = @transform_0, window_bounds = array<i64: 256, 1024>}, {transform_indices = @transform_1, window_bounds = array<i64: 256, 128>}, {transform_indices = @transform_2, window_bounds = array<i64: 1, 2, 1024, 1024>}, {transform_indices = @transform_3, window_bounds = array<i64: 1, 2, 1024>}, {transform_indices = @transform_4, window_bounds = array<i64: 256, 1024>}]} {
    %get3A = arith.constant 0 : index
    %get3A_0 = arith.constant 0 : index
    %get3A_1 = vector.load %arg2[%get3A, %get3A_0] : memref<256x1024xf32, #tpu.memory_space<vmem>>, vector<256x1024xf32>
    %get3A_2 = arith.constant 0 : index
    %get3A_3 = arith.constant 0 : index
    %get3A_4 = vector.load %arg3[%get3A_2, %get3A_3] : memref<256x128xf32, #tpu.memory_space<vmem>>, vector<256x128xf32>
    %slice3A = vector.extract_strided_slice %get3A_4 {offsets = [0, 0], sizes = [256, 1], strides = [1, 1]} : vector<256x128xf32> to vector<256x1xf32>
    %mul3A = vector.broadcast %slice3A : vector<256x1xf32> to vector<256x1024xf32>
    %mul3A_5 = arith.mulf %get3A_1, %mul3A : vector<256x1024xf32>
    %get3A_6 = arith.constant 0 : index
    %get3A_7 = arith.constant 0 : index
    %get3A_8 = arith.constant 0 : index
    %get3A_9 = arith.constant 0 : index
    %get3A_10 = vector.load %arg4[%get3A_6, %get3A_7, %get3A_8, %get3A_9] : memref<1x2x1024x1024xf32, #tpu.memory_space<vmem>>, vector<1x1x1024x1024xf32>
    %get3A_11 = vector.shape_cast %get3A_10 : vector<1x1x1024x1024xf32> to vector<1024x1024xf32>
    %get3A_12 = arith.constant 0 : index
    %get3A_13 = arith.constant 1 : index
    %get3A_14 = arith.constant 0 : index
    %get3A_15 = arith.constant 0 : index
    %get3A_16 = vector.load %arg4[%get3A_12, %get3A_13, %get3A_14, %get3A_15] : memref<1x2x1024x1024xf32, #tpu.memory_space<vmem>>, vector<1x1x1024x1024xf32>
    %get3A_17 = vector.shape_cast %get3A_16 : vector<1x1x1024x1024xf32> to vector<1024x1024xf32>
    %dot_general3A = arith.constant dense<0.000000e+00> : vector<256x1024xf32>
    %dot_general3A_18 = tpu.matmul %mul3A_5, %get3A_11, %dot_general3A {dimension_numbers = #tpu.dot_dimension_numbers<[1], [1], [0], [0], [0, 0, 1, 0], [], []>, transpose_lhs_hint = false} : vector<256x1024xf32>, vector<1024x1024xf32>, vector<256x1024xf32> -> vector<256x1024xf32>
    %get3A_19 = arith.constant 0 : index
    %get3A_20 = arith.constant 0 : index
    %get3A_21 = arith.constant 0 : index
    %get3A_22 = vector.load %arg5[%get3A_19, %get3A_20, %get3A_21] : memref<1x2x1024xf32, #tpu.memory_space<vmem>>, vector<1x1x1024xf32>
    %get3A_23 = vector.shape_cast %get3A_22 : vector<1x1x1024xf32> to vector<1024xf32>
    %broadcast_in_dim3A = vector.shape_cast %get3A_23 : vector<1024xf32> to vector<1x1024xf32>
    %add3A = vector.broadcast %broadcast_in_dim3A : vector<1x1024xf32> to vector<256x1024xf32>
    %add3A_24 = arith.addf %dot_general3A_18, %add3A : vector<256x1024xf32>
    %dot_general3A_25 = arith.constant dense<0.000000e+00> : vector<256x1024xf32>
    %dot_general3A_26 = tpu.matmul %add3A_24, %get3A_17, %dot_general3A_25 {dimension_numbers = #tpu.dot_dimension_numbers<[1], [1], [0], [0], [0, 0, 1, 0], [], []>, transpose_lhs_hint = false} : vector<256x1024xf32>, vector<1024x1024xf32>, vector<256x1024xf32> -> vector<256x1024xf32>
    %get3A_27 = arith.constant 0 : index
    %get3A_28 = arith.constant 1 : index
    %get3A_29 = arith.constant 0 : index
    %get3A_30 = vector.load %arg5[%get3A_27, %get3A_28, %get3A_29] : memref<1x2x1024xf32, #tpu.memory_space<vmem>>, vector<1x1x1024xf32>
    %get3A_31 = vector.shape_cast %get3A_30 : vector<1x1x1024xf32> to vector<1024xf32>
    %broadcast_in_dim3A_32 = vector.shape_cast %get3A_31 : vector<1024xf32> to vector<1x1024xf32>
    %add3A_33 = vector.broadcast %broadcast_in_dim3A_32 : vector<1x1024xf32> to vector<256x1024xf32>
    %add3A_34 = arith.addf %dot_general3A_26, %add3A_33 : vector<256x1024xf32>
    %swap3A = arith.constant 0 : index
    %swap3A_35 = arith.constant 0 : index
    %swap3A_36 = vector.load %arg6[%swap3A, %swap3A_35] : memref<256x1024xf32, #tpu.memory_space<vmem>>, vector<256x1024xf32>
    tpu.vector_store %arg6[%swap3A, %swap3A_35], %add3A_34 {strides = array<i32>} : memref<256x1024xf32, #tpu.memory_space<vmem>>, vector<256x1024xf32>,
    return
  }
  func.func @transform_0(%arg0: i32, %arg1: memref<24xi32, #tpu.memory_space<smem>>) -> (i32, i32) {
    %c0_i32 = arith.constant 0 : i32
    %c0_i32_0 = arith.constant 0 : i32
    return %arg0, %c0_i32 : i32, i32
  }
  func.func @transform_1(%arg0: i32, %arg1: memref<24xi32, #tpu.memory_space<smem>>) -> (i32, i32) {
    %c0_i32 = arith.constant 0 : i32
    %c0_i32_0 = arith.constant 0 : i32
    return %arg0, %c0_i32 : i32, i32
  }
  func.func @transform_2(%arg0: i32, %arg1: memref<24xi32, #tpu.memory_space<smem>>) -> (i32, i32, i32, i32) {
    %get3A = arith.index_cast %arg0 : i32 to index
    %get3A_0 = memref.load %arg1[%get3A] : memref<24xi32, #tpu.memory_space<smem>>
    %c0_i32 = arith.constant 0 : i32
    %c0_i32_1 = arith.constant 0 : i32
    %c0_i32_2 = arith.constant 0 : i32
    %c0_i32_3 = arith.constant 0 : i32
    return %get3A_0, %c0_i32, %c0_i32_1, %c0_i32_2 : i32, i32, i32, i32
  }
  func.func @transform_3(%arg0: i32, %arg1: memref<24xi32, #tpu.memory_space<smem>>) -> (i32, i32, i32) {
    %get3A = arith.index_cast %arg0 : i32 to index
    %get3A_0 = memref.load %arg1[%get3A] : memref<24xi32, #tpu.memory_space<smem>>
    %c0_i32 = arith.constant 0 : i32
    %c0_i32_1 = arith.constant 0 : i32
    %c0_i32_2 = arith.constant 0 : i32
    return %get3A_0, %c0_i32, %c0_i32_1 : i32, i32, i32
  }
  func.func @transform_4(%arg0: i32, %arg1: memref<24xi32, #tpu.memory_space<smem>>) -> (i32, i32) {
    %c0_i32 = arith.constant 0 : i32
    %c0_i32_0 = arith.constant 0 : i32
    return %arg0, %c0_i32 : i32, i32
  }
}

module attributes {stable_mosaic.version = 14 : i64} {
  func.func @_router_body(%arg0: i32, %arg1: memref<1024x1024xf32, #tpu.memory_space<vmem>>, %arg2: memref<8x1024xf32, #tpu.memory_space<vmem>>, %arg3: memref<1x8xf32, #tpu.memory_space<vmem>>, %arg4: memref<1024x128xf32, #tpu.memory_space<vmem>>, %arg5: memref<1024x1xf32, #tpu.memory_space<vmem>>, %arg6: memref<1x8xf32, #tpu.memory_space<vmem>>, %arg7: memref<1x8xf32, #tpu.memory_space<vmem>>, %arg8: memref<4096x1xi32, #tpu.memory_space<vmem>>, %arg9: memref<24x1xi32, #tpu.memory_space<vmem>>, %arg10: memref<4096x8xf32, #tpu.memory_space<vmem>>) attributes {dimension_semantics = [#tpu.dimension_semantics<arbitrary>], iteration_bounds = array<i64: 4>, scalar_prefetch = 0 : i64, scratch_operands = 1 : i64, tpu.core_type = #tpu.core_type<tc>, window_params = [{transform_indices = @transform_0, window_bounds = array<i64: 1024, 1024>}, {pipeline_mode = #tpu.pipeline_mode<synchronous>, transform_indices = @transform_1, window_bounds = array<i64: 8, 1024>}, {pipeline_mode = #tpu.pipeline_mode<synchronous>, transform_indices = @transform_2, window_bounds = array<i64: 1, 8>}, {transform_indices = @transform_3, window_bounds = array<i64: 1024, 128>}, {transform_indices = @transform_4, window_bounds = array<i64: 1024, 1>}, {pipeline_mode = #tpu.pipeline_mode<synchronous>, transform_indices = @transform_5, window_bounds = array<i64: 1, 8>}, {pipeline_mode = #tpu.pipeline_mode<synchronous>, transform_indices = @transform_6, window_bounds = array<i64: 1, 8>}, {pipeline_mode = #tpu.pipeline_mode<synchronous>, transform_indices = @transform_7, window_bounds = array<i64: 4096, 1>}, {pipeline_mode = #tpu.pipeline_mode<synchronous>, transform_indices = @transform_8, window_bounds = array<i64: 24, 1>}]} {
    %get3A = arith.constant 0 : index
    %get3A_0 = arith.constant 0 : index
    %get3A_1 = vector.load %arg1[%get3A, %get3A_0] : memref<1024x1024xf32, #tpu.memory_space<vmem>>, vector<1024x1024xf32>
    %get3A_2 = arith.constant 0 : index
    %get3A_3 = arith.constant 0 : index
    %get3A_4 = vector.load %arg2[%get3A_2, %get3A_3] : memref<8x1024xf32, #tpu.memory_space<vmem>>, vector<8x1024xf32>
    %dot_general3A = arith.constant dense<0.000000e+00> : vector<1024x8xf32>
    %dot_general3A_5 = tpu.matmul %get3A_1, %get3A_4, %dot_general3A {dimension_numbers = #tpu.dot_dimension_numbers<[1], [1], [0], [0], [0, 0, 1, 0], [], []>, transpose_lhs_hint = false} : vector<1024x1024xf32>, vector<8x1024xf32>, vector<1024x8xf32> -> vector<1024x8xf32>
    %get3A_6 = arith.constant 0 : index
    %get3A_7 = arith.constant 0 : index
    %get3A_8 = vector.load %arg3[%get3A_6, %get3A_7] : memref<1x8xf32, #tpu.memory_space<vmem>>, vector<1x8xf32>
    %add3A = vector.broadcast %get3A_8 : vector<1x8xf32> to vector<1024x8xf32>
    %add3A_9 = arith.addf %dot_general3A_5, %add3A : vector<1024x8xf32>
    %reduce_max3A = arith.constant dense<0xFF800000> : vector<1024xf32>
    %reduce_max3A_10 = vector.multi_reduction <maximumf>, %add3A_9, %reduce_max3A [1] : vector<1024x8xf32> to vector<1024xf32>
    %max3A = arith.constant 0xFF800000 : f32
    %max3A_11 = vector.broadcast %max3A : f32 to vector<1024xf32>
    %max3A_12 = arith.maximumf %max3A_11, %reduce_max3A_10 : vector<1024xf32>
    %broadcast_in_dim3A = vector.shape_cast %max3A_12 : vector<1024xf32> to vector<1024x1xf32>
    %sub3A = vector.broadcast %broadcast_in_dim3A : vector<1024x1xf32> to vector<1024x8xf32>
    %sub3A_13 = arith.subf %add3A_9, %sub3A : vector<1024x8xf32>
    %exp3A = math.exp %sub3A_13 : vector<1024x8xf32>
    %reduce_sum3A = arith.constant dense<0.000000e+00> : vector<1024xf32>
    %reduce_sum3A_14 = vector.multi_reduction <add>, %exp3A, %reduce_sum3A [1] : vector<1024x8xf32> to vector<1024xf32>
    %broadcast_in_dim3A_15 = vector.shape_cast %reduce_sum3A_14 : vector<1024xf32> to vector<1024x1xf32>
    %div3A = vector.broadcast %broadcast_in_dim3A_15 : vector<1024x1xf32> to vector<1024x8xf32>
    %div3A_16 = arith.divf %exp3A, %div3A : vector<1024x8xf32>
    %reduce_max3A_17 = arith.constant dense<0xFF800000> : vector<1024xf32>
    %reduce_max3A_18 = vector.multi_reduction <maximumf>, %div3A_16, %reduce_max3A_17 [1] : vector<1024x8xf32> to vector<1024xf32>
    %broadcast_in_dim3A_19 = vector.shape_cast %reduce_max3A_18 : vector<1024xf32> to vector<1024x1xf32>
    %iota3A = tpu.iota {dimensions = array<i32: 1>} : vector<1024x8xi32>
    %eq3A = vector.broadcast %broadcast_in_dim3A_19 : vector<1024x1xf32> to vector<1024x8xf32>
    %eq3A_20 = arith.cmpf oeq, %div3A_16, %eq3A : vector<1024x8xf32>
    %jit3A = arith.constant 8 : i32
    %broadcast_in_dim3A_21 = vector.broadcast %jit3A : i32 to vector<1024x8xi32>
    %select_n3A = arith.select %eq3A_20, %iota3A, %broadcast_in_dim3A_21 : vector<1024x8xi1>, vector<1024x8xi32>
    %reduce_min3A = arith.constant dense<2147483647> : vector<1024xi32>
    %reduce_min3A_22 = vector.multi_reduction <minsi>, %select_n3A, %reduce_min3A [1] : vector<1024x8xi32> to vector<1024xi32>
    %broadcast_in_dim3A_23 = vector.shape_cast %reduce_min3A_22 : vector<1024xi32> to vector<1024x1xi32>
    %eq3A_24 = vector.broadcast %broadcast_in_dim3A_23 : vector<1024x1xi32> to vector<1024x8xi32>
    %eq3A_25 = arith.cmpi eq, %iota3A, %eq3A_24 : vector<1024x8xi32>
    %convert_element_type3A = arith.extui %eq3A_25 : vector<1024x8xi1> to vector<1024x8xi32>
    %convert_element_type3A_26 = arith.sitofp %convert_element_type3A : vector<1024x8xi32> to vector<1024x8xf32>
    %mul3A = arith.constant 1024 : i32
    %mul3A_27 = arith.muli %arg0, %mul3A : i32
    %swap3A = arith.index_cast %mul3A_27 : i32 to index
    %swap3A_28 = arith.constant 0 : index
    %swap3A_29 = vector.load %arg10[%swap3A, %swap3A_28] : memref<4096x8xf32, #tpu.memory_space<vmem>>, vector<1024x8xf32>
    tpu.vector_store %arg10[%swap3A, %swap3A_28], %convert_element_type3A_26 {strides = array<i32>} : memref<4096x8xf32, #tpu.memory_space<vmem>>, vector<1024x8xf32>,
    %swap3A_30 = arith.constant 0 : index
    %swap3A_31 = arith.constant 0 : index
    %swap3A_32 = vector.load %arg5[%swap3A_30, %swap3A_31] : memref<1024x1xf32, #tpu.memory_space<vmem>>, vector<1024x1xf32>
    tpu.vector_store %arg5[%swap3A_30, %swap3A_31], %broadcast_in_dim3A_19 {strides = array<i32>} : memref<1024x1xf32, #tpu.memory_space<vmem>>, vector<1024x1xf32>,
    %broadcast_in_dim3A_33 = vector.shape_cast %broadcast_in_dim3A_19 : vector<1024x1xf32> to vector<1024x1xf32>
    %broadcast_in_dim3A_34 = vector.broadcast %broadcast_in_dim3A_33 : vector<1024x1xf32> to vector<1024x128xf32>
    %swap3A_35 = arith.constant 0 : index
    %swap3A_36 = arith.constant 0 : index
    %swap3A_37 = vector.load %arg4[%swap3A_35, %swap3A_36] : memref<1024x128xf32, #tpu.memory_space<vmem>>, vector<1024x128xf32>
    tpu.vector_store %arg4[%swap3A_35, %swap3A_36], %broadcast_in_dim3A_34 {strides = array<i32>} : memref<1024x128xf32, #tpu.memory_space<vmem>>, vector<1024x128xf32>,
    %eq3A_38 = arith.constant 0 : i32
    %eq3A_39 = arith.cmpi eq, %arg0, %eq3A_38 : i32
    %convert_element_type3A_40 = arith.extui %eq3A_39 : i1 to i32
    %cond3A = arith.constant 0 : i32
    %cond3A_41 = arith.cmpi ne, %convert_element_type3A_40, %cond3A : i32
    scf.if %cond3A_41 {
      %broadcast_in_dim3A_67 = arith.constant 0.000000e+00 : f32
      %broadcast_in_dim3A_68 = vector.broadcast %broadcast_in_dim3A_67 : f32 to vector<1x8xf32>
      %swap3A_69 = arith.constant 0 : index
      %swap3A_70 = arith.constant 0 : index
      %swap3A_71 = vector.load %arg6[%swap3A_69, %swap3A_70] : memref<1x8xf32, #tpu.memory_space<vmem>>, vector<1x8xf32>
      tpu.vector_store %arg6[%swap3A_69, %swap3A_70], %broadcast_in_dim3A_68 {strides = array<i32>} : memref<1x8xf32, #tpu.memory_space<vmem>>, vector<1x8xf32>,
      %broadcast_in_dim3A_72 = arith.constant 0.000000e+00 : f32
      %broadcast_in_dim3A_73 = vector.broadcast %broadcast_in_dim3A_72 : f32 to vector<1x8xf32>
      %swap3A_74 = arith.constant 0 : index
      %swap3A_75 = arith.constant 0 : index
      %swap3A_76 = vector.load %arg7[%swap3A_74, %swap3A_75] : memref<1x8xf32, #tpu.memory_space<vmem>>, vector<1x8xf32>
      tpu.vector_store %arg7[%swap3A_74, %swap3A_75], %broadcast_in_dim3A_73 {strides = array<i32>} : memref<1x8xf32, #tpu.memory_space<vmem>>, vector<1x8xf32>,
    } else {
    }
    %get3A_42 = arith.constant 0 : index
    %get3A_43 = arith.constant 0 : index
    %get3A_44 = vector.load %arg6[%get3A_42, %get3A_43] : memref<1x8xf32, #tpu.memory_space<vmem>>, vector<1x8xf32>
    %reduce_sum3A_45 = arith.constant dense<0.000000e+00> : vector<8xf32>
    %reduce_sum3A_46 = vector.multi_reduction <add>, %convert_element_type3A_26, %reduce_sum3A_45 [0] : vector<1024x8xf32> to vector<8xf32>
    %broadcast_in_dim3A_47 = vector.shape_cast %reduce_sum3A_46 : vector<8xf32> to vector<1x8xf32>
    %add3A_48 = arith.addf %get3A_44, %broadcast_in_dim3A_47 : vector<1x8xf32>
    %swap3A_49 = arith.constant 0 : index
    %swap3A_50 = arith.constant 0 : index
    %swap3A_51 = vector.load %arg6[%swap3A_49, %swap3A_50] : memref<1x8xf32, #tpu.memory_space<vmem>>, vector<1x8xf32>
    tpu.vector_store %arg6[%swap3A_49, %swap3A_50], %add3A_48 {strides = array<i32>} : memref<1x8xf32, #tpu.memory_space<vmem>>, vector<1x8xf32>,
    %get3A_52 = arith.constant 0 : index
    %get3A_53 = arith.constant 0 : index
    %get3A_54 = vector.load %arg7[%get3A_52, %get3A_53] : memref<1x8xf32, #tpu.memory_space<vmem>>, vector<1x8xf32>
    %reduce_sum3A_55 = arith.constant dense<0.000000e+00> : vector<8xf32>
    %reduce_sum3A_56 = vector.multi_reduction <add>, %div3A_16, %reduce_sum3A_55 [0] : vector<1024x8xf32> to vector<8xf32>
    %broadcast_in_dim3A_57 = vector.shape_cast %reduce_sum3A_56 : vector<8xf32> to vector<1x8xf32>
    %add3A_58 = arith.addf %get3A_54, %broadcast_in_dim3A_57 : vector<1x8xf32>
    %swap3A_59 = arith.constant 0 : index
    %swap3A_60 = arith.constant 0 : index
    %swap3A_61 = vector.load %arg7[%swap3A_59, %swap3A_60] : memref<1x8xf32, #tpu.memory_space<vmem>>, vector<1x8xf32>
    tpu.vector_store %arg7[%swap3A_59, %swap3A_60], %add3A_58 {strides = array<i32>} : memref<1x8xf32, #tpu.memory_space<vmem>>, vector<1x8xf32>,
    %eq3A_62 = arith.constant 3 : i32
    %eq3A_63 = arith.cmpi eq, %arg0, %eq3A_62 : i32
    %convert_element_type3A_64 = arith.extui %eq3A_63 : i1 to i32
    %cond3A_65 = arith.constant 0 : i32
    %cond3A_66 = arith.cmpi ne, %convert_element_type3A_64, %cond3A_65 : i32
    scf.if %cond3A_66 {
      %get3A_67 = arith.constant 0 : index
      %get3A_68 = arith.constant 0 : index
      %get3A_69 = vector.load %arg6[%get3A_67, %get3A_68] : memref<1x8xf32, #tpu.memory_space<vmem>>, vector<1x8xf32>
      %mul3A_70 = arith.constant 3.906250e-03 : f32
      %mul3A_71 = vector.broadcast %mul3A_70 : f32 to vector<1x8xf32>
      %mul3A_72 = arith.mulf %get3A_69, %mul3A_71 : vector<1x8xf32>
      %ceil3A = math.ceil %mul3A_72 : vector<1x8xf32>
      %mul3A_73 = arith.constant 2.560000e+02 : f32
      %mul3A_74 = vector.broadcast %mul3A_73 : f32 to vector<1x8xf32>
      %mul3A_75 = arith.mulf %ceil3A, %mul3A_74 : vector<1x8xf32>
      %iota3A_76 = tpu.iota {dimensions = array<i32: 0>} : vector<8x8xi32>
      %iota3A_77 = tpu.iota {dimensions = array<i32: 1>} : vector<8x8xi32>
      %lt3A = arith.cmpi slt, %iota3A_77, %iota3A_76 : vector<8x8xi32>
      %convert_element_type3A_78 = arith.extui %lt3A : vector<8x8xi1> to vector<8x8xi32>
      %convert_element_type3A_79 = arith.sitofp %convert_element_type3A_78 : vector<8x8xi32> to vector<8x8xf32>
      %dot_general3A_80 = arith.constant dense<0.000000e+00> : vector<1x8xf32>
      %dot_general3A_81 = tpu.matmul %mul3A_75, %convert_element_type3A_79, %dot_general3A_80 {dimension_numbers = #tpu.dot_dimension_numbers<[1], [1], [0], [0], [0, 0, 1, 0], [], []>, precision = #tpu.contract_precision<fp32>, transpose_lhs_hint = false} : vector<1x8xf32>, vector<8x8xf32>, vector<1x8xf32> -> vector<1x8xf32>
      %iota3A_82 = tpu.iota {dimensions = array<i32: 0>} : vector<24x8xi32>
      %mul3A_83 = arith.constant 256 : i32
      %mul3A_84 = vector.broadcast %mul3A_83 : i32 to vector<24x8xi32>
      %mul3A_85 = arith.muli %iota3A_82, %mul3A_84 : vector<24x8xi32>
      %convert_element_type3A_86 = arith.sitofp %mul3A_85 : vector<24x8xi32> to vector<24x8xf32>
      %le3A = vector.broadcast %dot_general3A_81 : vector<1x8xf32> to vector<24x8xf32>
      %le3A_87 = arith.cmpf ole, %le3A, %convert_element_type3A_86 : vector<24x8xf32>
      %convert_element_type3A_88 = arith.extui %le3A_87 : vector<24x8xi1> to vector<24x8xi32>
      %reduce_sum3A_89 = arith.constant dense<0> : vector<24xi32>
      %reduce_sum3A_90 = vector.multi_reduction <add>, %convert_element_type3A_88, %reduce_sum3A_89 [1] : vector<24x8xi32> to vector<24xi32>
      %broadcast_in_dim3A_91 = vector.shape_cast %reduce_sum3A_90 : vector<24xi32> to vector<24x1xi32>
      %sub3A_92 = arith.constant 1 : i32
      %sub3A_93 = vector.broadcast %sub3A_92 : i32 to vector<24x1xi32>
      %sub3A_94 = arith.subi %broadcast_in_dim3A_91, %sub3A_93 : vector<24x1xi32>
      %swap3A_95 = arith.constant 0 : index
      %swap3A_96 = arith.constant 0 : index
      %swap3A_97 = vector.load %arg9[%swap3A_95, %swap3A_96] : memref<24x1xi32, #tpu.memory_space<vmem>>, vector<24x1xi32>
      tpu.vector_store %arg9[%swap3A_95, %swap3A_96], %sub3A_94 {strides = array<i32>} : memref<24x1xi32, #tpu.memory_space<vmem>>, vector<24x1xi32>,
      %iota3A_98 = tpu.iota {dimensions = array<i32: 1>} : vector<256x256xi32>
      %iota3A_99 = tpu.iota {dimensions = array<i32: 0>} : vector<256x256xi32>
      %lt3A_100 = arith.cmpi slt, %iota3A_98, %iota3A_99 : vector<256x256xi32>
      %convert_element_type3A_101 = arith.extui %lt3A_100 : vector<256x256xi1> to vector<256x256xi32>
      %convert_element_type3A_102 = arith.sitofp %convert_element_type3A_101 : vector<256x256xi32> to vector<256x256xf32>
      %broadcast_in_dim3A_103 = arith.constant 0.000000e+00 : f32
      %broadcast_in_dim3A_104 = vector.broadcast %broadcast_in_dim3A_103 : f32 to vector<1x8xf32>
      %get3A_105 = arith.constant 0 : index
      %get3A_106 = arith.constant 0 : index
      %get3A_107 = vector.load %arg10[%get3A_105, %get3A_106] : memref<4096x8xf32, #tpu.memory_space<vmem>>, vector<256x8xf32>
      %dot_general3A_108 = arith.constant dense<0.000000e+00> : vector<256x8xf32>
      %dot_general3A_109 = tpu.matmul %convert_element_type3A_102, %get3A_107, %dot_general3A_108 {dimension_numbers = #tpu.dot_dimension_numbers<[1], [0], [0], [1], [0, 0, 1, 1], [], []>, precision = #tpu.contract_precision<fp32>, transpose_lhs_hint = false} : vector<256x256xf32>, vector<256x8xf32>, vector<256x8xf32> -> vector<256x8xf32>
      %add3A_110 = arith.addf %dot_general3A_81, %broadcast_in_dim3A_104 : vector<1x8xf32>
      %add3A_111 = vector.broadcast %add3A_110 : vector<1x8xf32> to vector<256x8xf32>
      %add3A_112 = arith.addf %add3A_111, %dot_general3A_109 : vector<256x8xf32>
      %mul3A_113 = arith.mulf %get3A_107, %add3A_112 : vector<256x8xf32>
      %reduce_sum3A_114 = arith.constant dense<0.000000e+00> : vector<256xf32>
      %reduce_sum3A_115 = vector.multi_reduction <add>, %mul3A_113, %reduce_sum3A_114 [1] : vector<256x8xf32> to vector<256xf32>
      %broadcast_in_dim3A_116 = vector.shape_cast %reduce_sum3A_115 : vector<256xf32> to vector<256x1xf32>
      %convert_element_type3A_117 = arith.fptosi %broadcast_in_dim3A_116 : vector<256x1xf32> to vector<256x1xi32>
      %swap3A_118 = arith.constant 0 : index
      %swap3A_119 = arith.constant 0 : index
      %swap3A_120 = vector.load %arg8[%swap3A_118, %swap3A_119] : memref<4096x1xi32, #tpu.memory_space<vmem>>, vector<256x1xi32>
      tpu.vector_store %arg8[%swap3A_118, %swap3A_119], %convert_element_type3A_117 {strides = array<i32>} : memref<4096x1xi32, #tpu.memory_space<vmem>>, vector<256x1xi32>,
      %reduce_sum3A_121 = arith.constant dense<0.000000e+00> : vector<8xf32>
      %reduce_sum3A_122 = vector.multi_reduction <add>, %get3A_107, %reduce_sum3A_121 [0] : vector<256x8xf32> to vector<8xf32>
      %broadcast_in_dim3A_123 = vector.shape_cast %reduce_sum3A_122 : vector<8xf32> to vector<1x8xf32>
      %add3A_124 = arith.addf %broadcast_in_dim3A_104, %broadcast_in_dim3A_123 : vector<1x8xf32>
      %get3A_125 = arith.constant 256 : index
      %get3A_126 = arith.constant 0 : index
      %get3A_127 = vector.load %arg10[%get3A_125, %get3A_126] : memref<4096x8xf32, #tpu.memory_space<vmem>>, vector<256x8xf32>
      %dot_general3A_128 = arith.constant dense<0.000000e+00> : vector<256x8xf32>
      %dot_general3A_129 = tpu.matmul %convert_element_type3A_102, %get3A_127, %dot_general3A_128 {dimension_numbers = #tpu.dot_dimension_numbers<[1], [0], [0], [1], [0, 0, 1, 1], [], []>, precision = #tpu.contract_precision<fp32>, transpose_lhs_hint = false} : vector<256x256xf32>, vector<256x8xf32>, vector<256x8xf32> -> vector<256x8xf32>
      %add3A_130 = arith.addf %dot_general3A_81, %add3A_124 : vector<1x8xf32>
      %add3A_131 = vector.broadcast %add3A_130 : vector<1x8xf32> to vector<256x8xf32>
      %add3A_132 = arith.addf %add3A_131, %dot_general3A_129 : vector<256x8xf32>
      %mul3A_133 = arith.mulf %get3A_127, %add3A_132 : vector<256x8xf32>
      %reduce_sum3A_134 = arith.constant dense<0.000000e+00> : vector<256xf32>
      %reduce_sum3A_135 = vector.multi_reduction <add>, %mul3A_133, %reduce_sum3A_134 [1] : vector<256x8xf32> to vector<256xf32>
      %broadcast_in_dim3A_136 = vector.shape_cast %reduce_sum3A_135 : vector<256xf32> to vector<256x1xf32>
      %convert_element_type3A_137 = arith.fptosi %broadcast_in_dim3A_136 : vector<256x1xf32> to vector<256x1xi32>
      %swap3A_138 = arith.constant 256 : index
      %swap3A_139 = arith.constant 0 : index
      %swap3A_140 = vector.load %arg8[%swap3A_138, %swap3A_139] : memref<4096x1xi32, #tpu.memory_space<vmem>>, vector<256x1xi32>
      tpu.vector_store %arg8[%swap3A_138, %swap3A_139], %convert_element_type3A_137 {strides = array<i32>} : memref<4096x1xi32, #tpu.memory_space<vmem>>, vector<256x1xi32>,
      %reduce_sum3A_141 = arith.constant dense<0.000000e+00> : vector<8xf32>
      %reduce_sum3A_142 = vector.multi_reduction <add>, %get3A_127, %reduce_sum3A_141 [0] : vector<256x8xf32> to vector<8xf32>
      %broadcast_in_dim3A_143 = vector.shape_cast %reduce_sum3A_142 : vector<8xf32> to vector<1x8xf32>
      %add3A_144 = arith.addf %add3A_124, %broadcast_in_dim3A_143 : vector<1x8xf32>
      %get3A_145 = arith.constant 512 : index
      %get3A_146 = arith.constant 0 : index
      %get3A_147 = vector.load %arg10[%get3A_145, %get3A_146] : memref<4096x8xf32, #tpu.memory_space<vmem>>, vector<256x8xf32>
      %dot_general3A_148 = arith.constant dense<0.000000e+00> : vector<256x8xf32>
      %dot_general3A_149 = tpu.matmul %convert_element_type3A_102, %get3A_147, %dot_general3A_148 {dimension_numbers = #tpu.dot_dimension_numbers<[1], [0], [0], [1], [0, 0, 1, 1], [], []>, precision = #tpu.contract_precision<fp32>, transpose_lhs_hint = false} : vector<256x256xf32>, vector<256x8xf32>, vector<256x8xf32> -> vector<256x8xf32>
      %add3A_150 = arith.addf %dot_general3A_81, %add3A_144 : vector<1x8xf32>
      %add3A_151 = vector.broadcast %add3A_150 : vector<1x8xf32> to vector<256x8xf32>
      %add3A_152 = arith.addf %add3A_151, %dot_general3A_149 : vector<256x8xf32>
      %mul3A_153 = arith.mulf %get3A_147, %add3A_152 : vector<256x8xf32>
      %reduce_sum3A_154 = arith.constant dense<0.000000e+00> : vector<256xf32>
      %reduce_sum3A_155 = vector.multi_reduction <add>, %mul3A_153, %reduce_sum3A_154 [1] : vector<256x8xf32> to vector<256xf32>
      %broadcast_in_dim3A_156 = vector.shape_cast %reduce_sum3A_155 : vector<256xf32> to vector<256x1xf32>
      %convert_element_type3A_157 = arith.fptosi %broadcast_in_dim3A_156 : vector<256x1xf32> to vector<256x1xi32>
      %swap3A_158 = arith.constant 512 : index
      %swap3A_159 = arith.constant 0 : index
      %swap3A_160 = vector.load %arg8[%swap3A_158, %swap3A_159] : memref<4096x1xi32, #tpu.memory_space<vmem>>, vector<256x1xi32>
      tpu.vector_store %arg8[%swap3A_158, %swap3A_159], %convert_element_type3A_157 {strides = array<i32>} : memref<4096x1xi32, #tpu.memory_space<vmem>>, vector<256x1xi32>,
      %reduce_sum3A_161 = arith.constant dense<0.000000e+00> : vector<8xf32>
      %reduce_sum3A_162 = vector.multi_reduction <add>, %get3A_147, %reduce_sum3A_161 [0] : vector<256x8xf32> to vector<8xf32>
      %broadcast_in_dim3A_163 = vector.shape_cast %reduce_sum3A_162 : vector<8xf32> to vector<1x8xf32>
      %add3A_164 = arith.addf %add3A_144, %broadcast_in_dim3A_163 : vector<1x8xf32>
      %get3A_165 = arith.constant 768 : index
      %get3A_166 = arith.constant 0 : index
      %get3A_167 = vector.load %arg10[%get3A_165, %get3A_166] : memref<4096x8xf32, #tpu.memory_space<vmem>>, vector<256x8xf32>
      %dot_general3A_168 = arith.constant dense<0.000000e+00> : vector<256x8xf32>
      %dot_general3A_169 = tpu.matmul %convert_element_type3A_102, %get3A_167, %dot_general3A_168 {dimension_numbers = #tpu.dot_dimension_numbers<[1], [0], [0], [1], [0, 0, 1, 1], [], []>, precision = #tpu.contract_precision<fp32>, transpose_lhs_hint = false} : vector<256x256xf32>, vector<256x8xf32>, vector<256x8xf32> -> vector<256x8xf32>
      %add3A_170 = arith.addf %dot_general3A_81, %add3A_164 : vector<1x8xf32>
      %add3A_171 = vector.broadcast %add3A_170 : vector<1x8xf32> to vector<256x8xf32>
      %add3A_172 = arith.addf %add3A_171, %dot_general3A_169 : vector<256x8xf32>
      %mul3A_173 = arith.mulf %get3A_167, %add3A_172 : vector<256x8xf32>
      %reduce_sum3A_174 = arith.constant dense<0.000000e+00> : vector<256xf32>
      %reduce_sum3A_175 = vector.multi_reduction <add>, %mul3A_173, %reduce_sum3A_174 [1] : vector<256x8xf32> to vector<256xf32>
      %broadcast_in_dim3A_176 = vector.shape_cast %reduce_sum3A_175 : vector<256xf32> to vector<256x1xf32>
      %convert_element_type3A_177 = arith.fptosi %broadcast_in_dim3A_176 : vector<256x1xf32> to vector<256x1xi32>
      %swap3A_178 = arith.constant 768 : index
      %swap3A_179 = arith.constant 0 : index
      %swap3A_180 = vector.load %arg8[%swap3A_178, %swap3A_179] : memref<4096x1xi32, #tpu.memory_space<vmem>>, vector<256x1xi32>
      tpu.vector_store %arg8[%swap3A_178, %swap3A_179], %convert_element_type3A_177 {strides = array<i32>} : memref<4096x1xi32, #tpu.memory_space<vmem>>, vector<256x1xi32>,
      %reduce_sum3A_181 = arith.constant dense<0.000000e+00> : vector<8xf32>
      %reduce_sum3A_182 = vector.multi_reduction <add>, %get3A_167, %reduce_sum3A_181 [0] : vector<256x8xf32> to vector<8xf32>
      %broadcast_in_dim3A_183 = vector.shape_cast %reduce_sum3A_182 : vector<8xf32> to vector<1x8xf32>
      %add3A_184 = arith.addf %add3A_164, %broadcast_in_dim3A_183 : vector<1x8xf32>
      %get3A_185 = arith.constant 1024 : index
      %get3A_186 = arith.constant 0 : index
      %get3A_187 = vector.load %arg10[%get3A_185, %get3A_186] : memref<4096x8xf32, #tpu.memory_space<vmem>>, vector<256x8xf32>
      %dot_general3A_188 = arith.constant dense<0.000000e+00> : vector<256x8xf32>
      %dot_general3A_189 = tpu.matmul %convert_element_type3A_102, %get3A_187, %dot_general3A_188 {dimension_numbers = #tpu.dot_dimension_numbers<[1], [0], [0], [1], [0, 0, 1, 1], [], []>, precision = #tpu.contract_precision<fp32>, transpose_lhs_hint = false} : vector<256x256xf32>, vector<256x8xf32>, vector<256x8xf32> -> vector<256x8xf32>
      %add3A_190 = arith.addf %dot_general3A_81, %add3A_184 : vector<1x8xf32>
      %add3A_191 = vector.broadcast %add3A_190 : vector<1x8xf32> to vector<256x8xf32>
      %add3A_192 = arith.addf %add3A_191, %dot_general3A_189 : vector<256x8xf32>
      %mul3A_193 = arith.mulf %get3A_187, %add3A_192 : vector<256x8xf32>
      %reduce_sum3A_194 = arith.constant dense<0.000000e+00> : vector<256xf32>
      %reduce_sum3A_195 = vector.multi_reduction <add>, %mul3A_193, %reduce_sum3A_194 [1] : vector<256x8xf32> to vector<256xf32>
      %broadcast_in_dim3A_196 = vector.shape_cast %reduce_sum3A_195 : vector<256xf32> to vector<256x1xf32>
      %convert_element_type3A_197 = arith.fptosi %broadcast_in_dim3A_196 : vector<256x1xf32> to vector<256x1xi32>
      %swap3A_198 = arith.constant 1024 : index
      %swap3A_199 = arith.constant 0 : index
      %swap3A_200 = vector.load %arg8[%swap3A_198, %swap3A_199] : memref<4096x1xi32, #tpu.memory_space<vmem>>, vector<256x1xi32>
      tpu.vector_store %arg8[%swap3A_198, %swap3A_199], %convert_element_type3A_197 {strides = array<i32>} : memref<4096x1xi32, #tpu.memory_space<vmem>>, vector<256x1xi32>,
      %reduce_sum3A_201 = arith.constant dense<0.000000e+00> : vector<8xf32>
      %reduce_sum3A_202 = vector.multi_reduction <add>, %get3A_187, %reduce_sum3A_201 [0] : vector<256x8xf32> to vector<8xf32>
      %broadcast_in_dim3A_203 = vector.shape_cast %reduce_sum3A_202 : vector<8xf32> to vector<1x8xf32>
      %add3A_204 = arith.addf %add3A_184, %broadcast_in_dim3A_203 : vector<1x8xf32>
      %get3A_205 = arith.constant 1280 : index
      %get3A_206 = arith.constant 0 : index
      %get3A_207 = vector.load %arg10[%get3A_205, %get3A_206] : memref<4096x8xf32, #tpu.memory_space<vmem>>, vector<256x8xf32>
      %dot_general3A_208 = arith.constant dense<0.000000e+00> : vector<256x8xf32>
      %dot_general3A_209 = tpu.matmul %convert_element_type3A_102, %get3A_207, %dot_general3A_208 {dimension_numbers = #tpu.dot_dimension_numbers<[1], [0], [0], [1], [0, 0, 1, 1], [], []>, precision = #tpu.contract_precision<fp32>, transpose_lhs_hint = false} : vector<256x256xf32>, vector<256x8xf32>, vector<256x8xf32> -> vector<256x8xf32>
      %add3A_210 = arith.addf %dot_general3A_81, %add3A_204 : vector<1x8xf32>
      %add3A_211 = vector.broadcast %add3A_210 : vector<1x8xf32> to vector<256x8xf32>
      %add3A_212 = arith.addf %add3A_211, %dot_general3A_209 : vector<256x8xf32>
      %mul3A_213 = arith.mulf %get3A_207, %add3A_212 : vector<256x8xf32>
      %reduce_sum3A_214 = arith.constant dense<0.000000e+00> : vector<256xf32>
      %reduce_sum3A_215 = vector.multi_reduction <add>, %mul3A_213, %reduce_sum3A_214 [1] : vector<256x8xf32> to vector<256xf32>
      %broadcast_in_dim3A_216 = vector.shape_cast %reduce_sum3A_215 : vector<256xf32> to vector<256x1xf32>
      %convert_element_type3A_217 = arith.fptosi %broadcast_in_dim3A_216 : vector<256x1xf32> to vector<256x1xi32>
      %swap3A_218 = arith.constant 1280 : index
      %swap3A_219 = arith.constant 0 : index
      %swap3A_220 = vector.load %arg8[%swap3A_218, %swap3A_219] : memref<4096x1xi32, #tpu.memory_space<vmem>>, vector<256x1xi32>
      tpu.vector_store %arg8[%swap3A_218, %swap3A_219], %convert_element_type3A_217 {strides = array<i32>} : memref<4096x1xi32, #tpu.memory_space<vmem>>, vector<256x1xi32>,
      %reduce_sum3A_221 = arith.constant dense<0.000000e+00> : vector<8xf32>
      %reduce_sum3A_222 = vector.multi_reduction <add>, %get3A_207, %reduce_sum3A_221 [0] : vector<256x8xf32> to vector<8xf32>
      %broadcast_in_dim3A_223 = vector.shape_cast %reduce_sum3A_222 : vector<8xf32> to vector<1x8xf32>
      %add3A_224 = arith.addf %add3A_204, %broadcast_in_dim3A_223 : vector<1x8xf32>
      %get3A_225 = arith.constant 1536 : index
      %get3A_226 = arith.constant 0 : index
      %get3A_227 = vector.load %arg10[%get3A_225, %get3A_226] : memref<4096x8xf32, #tpu.memory_space<vmem>>, vector<256x8xf32>
      %dot_general3A_228 = arith.constant dense<0.000000e+00> : vector<256x8xf32>
      %dot_general3A_229 = tpu.matmul %convert_element_type3A_102, %get3A_227, %dot_general3A_228 {dimension_numbers = #tpu.dot_dimension_numbers<[1], [0], [0], [1], [0, 0, 1, 1], [], []>, precision = #tpu.contract_precision<fp32>, transpose_lhs_hint = false} : vector<256x256xf32>, vector<256x8xf32>, vector<256x8xf32> -> vector<256x8xf32>
      %add3A_230 = arith.addf %dot_general3A_81, %add3A_224 : vector<1x8xf32>
      %add3A_231 = vector.broadcast %add3A_230 : vector<1x8xf32> to vector<256x8xf32>
      %add3A_232 = arith.addf %add3A_231, %dot_general3A_229 : vector<256x8xf32>
      %mul3A_233 = arith.mulf %get3A_227, %add3A_232 : vector<256x8xf32>
      %reduce_sum3A_234 = arith.constant dense<0.000000e+00> : vector<256xf32>
      %reduce_sum3A_235 = vector.multi_reduction <add>, %mul3A_233, %reduce_sum3A_234 [1] : vector<256x8xf32> to vector<256xf32>
      %broadcast_in_dim3A_236 = vector.shape_cast %reduce_sum3A_235 : vector<256xf32> to vector<256x1xf32>
      %convert_element_type3A_237 = arith.fptosi %broadcast_in_dim3A_236 : vector<256x1xf32> to vector<256x1xi32>
      %swap3A_238 = arith.constant 1536 : index
      %swap3A_239 = arith.constant 0 : index
      %swap3A_240 = vector.load %arg8[%swap3A_238, %swap3A_239] : memref<4096x1xi32, #tpu.memory_space<vmem>>, vector<256x1xi32>
      tpu.vector_store %arg8[%swap3A_238, %swap3A_239], %convert_element_type3A_237 {strides = array<i32>} : memref<4096x1xi32, #tpu.memory_space<vmem>>, vector<256x1xi32>,
      %reduce_sum3A_241 = arith.constant dense<0.000000e+00> : vector<8xf32>
      %reduce_sum3A_242 = vector.multi_reduction <add>, %get3A_227, %reduce_sum3A_241 [0] : vector<256x8xf32> to vector<8xf32>
      %broadcast_in_dim3A_243 = vector.shape_cast %reduce_sum3A_242 : vector<8xf32> to vector<1x8xf32>
      %add3A_244 = arith.addf %add3A_224, %broadcast_in_dim3A_243 : vector<1x8xf32>
      %get3A_245 = arith.constant 1792 : index
      %get3A_246 = arith.constant 0 : index
      %get3A_247 = vector.load %arg10[%get3A_245, %get3A_246] : memref<4096x8xf32, #tpu.memory_space<vmem>>, vector<256x8xf32>
      %dot_general3A_248 = arith.constant dense<0.000000e+00> : vector<256x8xf32>
      %dot_general3A_249 = tpu.matmul %convert_element_type3A_102, %get3A_247, %dot_general3A_248 {dimension_numbers = #tpu.dot_dimension_numbers<[1], [0], [0], [1], [0, 0, 1, 1], [], []>, precision = #tpu.contract_precision<fp32>, transpose_lhs_hint = false} : vector<256x256xf32>, vector<256x8xf32>, vector<256x8xf32> -> vector<256x8xf32>
      %add3A_250 = arith.addf %dot_general3A_81, %add3A_244 : vector<1x8xf32>
      %add3A_251 = vector.broadcast %add3A_250 : vector<1x8xf32> to vector<256x8xf32>
      %add3A_252 = arith.addf %add3A_251, %dot_general3A_249 : vector<256x8xf32>
      %mul3A_253 = arith.mulf %get3A_247, %add3A_252 : vector<256x8xf32>
      %reduce_sum3A_254 = arith.constant dense<0.000000e+00> : vector<256xf32>
      %reduce_sum3A_255 = vector.multi_reduction <add>, %mul3A_253, %reduce_sum3A_254 [1] : vector<256x8xf32> to vector<256xf32>
      %broadcast_in_dim3A_256 = vector.shape_cast %reduce_sum3A_255 : vector<256xf32> to vector<256x1xf32>
      %convert_element_type3A_257 = arith.fptosi %broadcast_in_dim3A_256 : vector<256x1xf32> to vector<256x1xi32>
      %swap3A_258 = arith.constant 1792 : index
      %swap3A_259 = arith.constant 0 : index
      %swap3A_260 = vector.load %arg8[%swap3A_258, %swap3A_259] : memref<4096x1xi32, #tpu.memory_space<vmem>>, vector<256x1xi32>
      tpu.vector_store %arg8[%swap3A_258, %swap3A_259], %convert_element_type3A_257 {strides = array<i32>} : memref<4096x1xi32, #tpu.memory_space<vmem>>, vector<256x1xi32>,
      %reduce_sum3A_261 = arith.constant dense<0.000000e+00> : vector<8xf32>
      %reduce_sum3A_262 = vector.multi_reduction <add>, %get3A_247, %reduce_sum3A_261 [0] : vector<256x8xf32> to vector<8xf32>
      %broadcast_in_dim3A_263 = vector.shape_cast %reduce_sum3A_262 : vector<8xf32> to vector<1x8xf32>
      %add3A_264 = arith.addf %add3A_244, %broadcast_in_dim3A_263 : vector<1x8xf32>
      %get3A_265 = arith.constant 2048 : index
      %get3A_266 = arith.constant 0 : index
      %get3A_267 = vector.load %arg10[%get3A_265, %get3A_266] : memref<4096x8xf32, #tpu.memory_space<vmem>>, vector<256x8xf32>
      %dot_general3A_268 = arith.constant dense<0.000000e+00> : vector<256x8xf32>
      %dot_general3A_269 = tpu.matmul %convert_element_type3A_102, %get3A_267, %dot_general3A_268 {dimension_numbers = #tpu.dot_dimension_numbers<[1], [0], [0], [1], [0, 0, 1, 1], [], []>, precision = #tpu.contract_precision<fp32>, transpose_lhs_hint = false} : vector<256x256xf32>, vector<256x8xf32>, vector<256x8xf32> -> vector<256x8xf32>
      %add3A_270 = arith.addf %dot_general3A_81, %add3A_264 : vector<1x8xf32>
      %add3A_271 = vector.broadcast %add3A_270 : vector<1x8xf32> to vector<256x8xf32>
      %add3A_272 = arith.addf %add3A_271, %dot_general3A_269 : vector<256x8xf32>
      %mul3A_273 = arith.mulf %get3A_267, %add3A_272 : vector<256x8xf32>
      %reduce_sum3A_274 = arith.constant dense<0.000000e+00> : vector<256xf32>
      %reduce_sum3A_275 = vector.multi_reduction <add>, %mul3A_273, %reduce_sum3A_274 [1] : vector<256x8xf32> to vector<256xf32>
      %broadcast_in_dim3A_276 = vector.shape_cast %reduce_sum3A_275 : vector<256xf32> to vector<256x1xf32>
      %convert_element_type3A_277 = arith.fptosi %broadcast_in_dim3A_276 : vector<256x1xf32> to vector<256x1xi32>
      %swap3A_278 = arith.constant 2048 : index
      %swap3A_279 = arith.constant 0 : index
      %swap3A_280 = vector.load %arg8[%swap3A_278, %swap3A_279] : memref<4096x1xi32, #tpu.memory_space<vmem>>, vector<256x1xi32>
      tpu.vector_store %arg8[%swap3A_278, %swap3A_279], %convert_element_type3A_277 {strides = array<i32>} : memref<4096x1xi32, #tpu.memory_space<vmem>>, vector<256x1xi32>,
      %reduce_sum3A_281 = arith.constant dense<0.000000e+00> : vector<8xf32>
      %reduce_sum3A_282 = vector.multi_reduction <add>, %get3A_267, %reduce_sum3A_281 [0] : vector<256x8xf32> to vector<8xf32>
      %broadcast_in_dim3A_283 = vector.shape_cast %reduce_sum3A_282 : vector<8xf32> to vector<1x8xf32>
      %add3A_284 = arith.addf %add3A_264, %broadcast_in_dim3A_283 : vector<1x8xf32>
      %get3A_285 = arith.constant 2304 : index
      %get3A_286 = arith.constant 0 : index
      %get3A_287 = vector.load %arg10[%get3A_285, %get3A_286] : memref<4096x8xf32, #tpu.memory_space<vmem>>, vector<256x8xf32>
      %dot_general3A_288 = arith.constant dense<0.000000e+00> : vector<256x8xf32>
      %dot_general3A_289 = tpu.matmul %convert_element_type3A_102, %get3A_287, %dot_general3A_288 {dimension_numbers = #tpu.dot_dimension_numbers<[1], [0], [0], [1], [0, 0, 1, 1], [], []>, precision = #tpu.contract_precision<fp32>, transpose_lhs_hint = false} : vector<256x256xf32>, vector<256x8xf32>, vector<256x8xf32> -> vector<256x8xf32>
      %add3A_290 = arith.addf %dot_general3A_81, %add3A_284 : vector<1x8xf32>
      %add3A_291 = vector.broadcast %add3A_290 : vector<1x8xf32> to vector<256x8xf32>
      %add3A_292 = arith.addf %add3A_291, %dot_general3A_289 : vector<256x8xf32>
      %mul3A_293 = arith.mulf %get3A_287, %add3A_292 : vector<256x8xf32>
      %reduce_sum3A_294 = arith.constant dense<0.000000e+00> : vector<256xf32>
      %reduce_sum3A_295 = vector.multi_reduction <add>, %mul3A_293, %reduce_sum3A_294 [1] : vector<256x8xf32> to vector<256xf32>
      %broadcast_in_dim3A_296 = vector.shape_cast %reduce_sum3A_295 : vector<256xf32> to vector<256x1xf32>
      %convert_element_type3A_297 = arith.fptosi %broadcast_in_dim3A_296 : vector<256x1xf32> to vector<256x1xi32>
      %swap3A_298 = arith.constant 2304 : index
      %swap3A_299 = arith.constant 0 : index
      %swap3A_300 = vector.load %arg8[%swap3A_298, %swap3A_299] : memref<4096x1xi32, #tpu.memory_space<vmem>>, vector<256x1xi32>
      tpu.vector_store %arg8[%swap3A_298, %swap3A_299], %convert_element_type3A_297 {strides = array<i32>} : memref<4096x1xi32, #tpu.memory_space<vmem>>, vector<256x1xi32>,
      %reduce_sum3A_301 = arith.constant dense<0.000000e+00> : vector<8xf32>
      %reduce_sum3A_302 = vector.multi_reduction <add>, %get3A_287, %reduce_sum3A_301 [0] : vector<256x8xf32> to vector<8xf32>
      %broadcast_in_dim3A_303 = vector.shape_cast %reduce_sum3A_302 : vector<8xf32> to vector<1x8xf32>
      %add3A_304 = arith.addf %add3A_284, %broadcast_in_dim3A_303 : vector<1x8xf32>
      %get3A_305 = arith.constant 2560 : index
      %get3A_306 = arith.constant 0 : index
      %get3A_307 = vector.load %arg10[%get3A_305, %get3A_306] : memref<4096x8xf32, #tpu.memory_space<vmem>>, vector<256x8xf32>
      %dot_general3A_308 = arith.constant dense<0.000000e+00> : vector<256x8xf32>
      %dot_general3A_309 = tpu.matmul %convert_element_type3A_102, %get3A_307, %dot_general3A_308 {dimension_numbers = #tpu.dot_dimension_numbers<[1], [0], [0], [1], [0, 0, 1, 1], [], []>, precision = #tpu.contract_precision<fp32>, transpose_lhs_hint = false} : vector<256x256xf32>, vector<256x8xf32>, vector<256x8xf32> -> vector<256x8xf32>
      %add3A_310 = arith.addf %dot_general3A_81, %add3A_304 : vector<1x8xf32>
      %add3A_311 = vector.broadcast %add3A_310 : vector<1x8xf32> to vector<256x8xf32>
      %add3A_312 = arith.addf %add3A_311, %dot_general3A_309 : vector<256x8xf32>
      %mul3A_313 = arith.mulf %get3A_307, %add3A_312 : vector<256x8xf32>
      %reduce_sum3A_314 = arith.constant dense<0.000000e+00> : vector<256xf32>
      %reduce_sum3A_315 = vector.multi_reduction <add>, %mul3A_313, %reduce_sum3A_314 [1] : vector<256x8xf32> to vector<256xf32>
      %broadcast_in_dim3A_316 = vector.shape_cast %reduce_sum3A_315 : vector<256xf32> to vector<256x1xf32>
      %convert_element_type3A_317 = arith.fptosi %broadcast_in_dim3A_316 : vector<256x1xf32> to vector<256x1xi32>
      %swap3A_318 = arith.constant 2560 : index
      %swap3A_319 = arith.constant 0 : index
      %swap3A_320 = vector.load %arg8[%swap3A_318, %swap3A_319] : memref<4096x1xi32, #tpu.memory_space<vmem>>, vector<256x1xi32>
      tpu.vector_store %arg8[%swap3A_318, %swap3A_319], %convert_element_type3A_317 {strides = array<i32>} : memref<4096x1xi32, #tpu.memory_space<vmem>>, vector<256x1xi32>,
      %reduce_sum3A_321 = arith.constant dense<0.000000e+00> : vector<8xf32>
      %reduce_sum3A_322 = vector.multi_reduction <add>, %get3A_307, %reduce_sum3A_321 [0] : vector<256x8xf32> to vector<8xf32>
      %broadcast_in_dim3A_323 = vector.shape_cast %reduce_sum3A_322 : vector<8xf32> to vector<1x8xf32>
      %add3A_324 = arith.addf %add3A_304, %broadcast_in_dim3A_323 : vector<1x8xf32>
      %get3A_325 = arith.constant 2816 : index
      %get3A_326 = arith.constant 0 : index
      %get3A_327 = vector.load %arg10[%get3A_325, %get3A_326] : memref<4096x8xf32, #tpu.memory_space<vmem>>, vector<256x8xf32>
      %dot_general3A_328 = arith.constant dense<0.000000e+00> : vector<256x8xf32>
      %dot_general3A_329 = tpu.matmul %convert_element_type3A_102, %get3A_327, %dot_general3A_328 {dimension_numbers = #tpu.dot_dimension_numbers<[1], [0], [0], [1], [0, 0, 1, 1], [], []>, precision = #tpu.contract_precision<fp32>, transpose_lhs_hint = false} : vector<256x256xf32>, vector<256x8xf32>, vector<256x8xf32> -> vector<256x8xf32>
      %add3A_330 = arith.addf %dot_general3A_81, %add3A_324 : vector<1x8xf32>
      %add3A_331 = vector.broadcast %add3A_330 : vector<1x8xf32> to vector<256x8xf32>
      %add3A_332 = arith.addf %add3A_331, %dot_general3A_329 : vector<256x8xf32>
      %mul3A_333 = arith.mulf %get3A_327, %add3A_332 : vector<256x8xf32>
      %reduce_sum3A_334 = arith.constant dense<0.000000e+00> : vector<256xf32>
      %reduce_sum3A_335 = vector.multi_reduction <add>, %mul3A_333, %reduce_sum3A_334 [1] : vector<256x8xf32> to vector<256xf32>
      %broadcast_in_dim3A_336 = vector.shape_cast %reduce_sum3A_335 : vector<256xf32> to vector<256x1xf32>
      %convert_element_type3A_337 = arith.fptosi %broadcast_in_dim3A_336 : vector<256x1xf32> to vector<256x1xi32>
      %swap3A_338 = arith.constant 2816 : index
      %swap3A_339 = arith.constant 0 : index
      %swap3A_340 = vector.load %arg8[%swap3A_338, %swap3A_339] : memref<4096x1xi32, #tpu.memory_space<vmem>>, vector<256x1xi32>
      tpu.vector_store %arg8[%swap3A_338, %swap3A_339], %convert_element_type3A_337 {strides = array<i32>} : memref<4096x1xi32, #tpu.memory_space<vmem>>, vector<256x1xi32>,
      %reduce_sum3A_341 = arith.constant dense<0.000000e+00> : vector<8xf32>
      %reduce_sum3A_342 = vector.multi_reduction <add>, %get3A_327, %reduce_sum3A_341 [0] : vector<256x8xf32> to vector<8xf32>
      %broadcast_in_dim3A_343 = vector.shape_cast %reduce_sum3A_342 : vector<8xf32> to vector<1x8xf32>
      %add3A_344 = arith.addf %add3A_324, %broadcast_in_dim3A_343 : vector<1x8xf32>
      %get3A_345 = arith.constant 3072 : index
      %get3A_346 = arith.constant 0 : index
      %get3A_347 = vector.load %arg10[%get3A_345, %get3A_346] : memref<4096x8xf32, #tpu.memory_space<vmem>>, vector<256x8xf32>
      %dot_general3A_348 = arith.constant dense<0.000000e+00> : vector<256x8xf32>
      %dot_general3A_349 = tpu.matmul %convert_element_type3A_102, %get3A_347, %dot_general3A_348 {dimension_numbers = #tpu.dot_dimension_numbers<[1], [0], [0], [1], [0, 0, 1, 1], [], []>, precision = #tpu.contract_precision<fp32>, transpose_lhs_hint = false} : vector<256x256xf32>, vector<256x8xf32>, vector<256x8xf32> -> vector<256x8xf32>
      %add3A_350 = arith.addf %dot_general3A_81, %add3A_344 : vector<1x8xf32>
      %add3A_351 = vector.broadcast %add3A_350 : vector<1x8xf32> to vector<256x8xf32>
      %add3A_352 = arith.addf %add3A_351, %dot_general3A_349 : vector<256x8xf32>
      %mul3A_353 = arith.mulf %get3A_347, %add3A_352 : vector<256x8xf32>
      %reduce_sum3A_354 = arith.constant dense<0.000000e+00> : vector<256xf32>
      %reduce_sum3A_355 = vector.multi_reduction <add>, %mul3A_353, %reduce_sum3A_354 [1] : vector<256x8xf32> to vector<256xf32>
      %broadcast_in_dim3A_356 = vector.shape_cast %reduce_sum3A_355 : vector<256xf32> to vector<256x1xf32>
      %convert_element_type3A_357 = arith.fptosi %broadcast_in_dim3A_356 : vector<256x1xf32> to vector<256x1xi32>
      %swap3A_358 = arith.constant 3072 : index
      %swap3A_359 = arith.constant 0 : index
      %swap3A_360 = vector.load %arg8[%swap3A_358, %swap3A_359] : memref<4096x1xi32, #tpu.memory_space<vmem>>, vector<256x1xi32>
      tpu.vector_store %arg8[%swap3A_358, %swap3A_359], %convert_element_type3A_357 {strides = array<i32>} : memref<4096x1xi32, #tpu.memory_space<vmem>>, vector<256x1xi32>,
      %reduce_sum3A_361 = arith.constant dense<0.000000e+00> : vector<8xf32>
      %reduce_sum3A_362 = vector.multi_reduction <add>, %get3A_347, %reduce_sum3A_361 [0] : vector<256x8xf32> to vector<8xf32>
      %broadcast_in_dim3A_363 = vector.shape_cast %reduce_sum3A_362 : vector<8xf32> to vector<1x8xf32>
      %add3A_364 = arith.addf %add3A_344, %broadcast_in_dim3A_363 : vector<1x8xf32>
      %get3A_365 = arith.constant 3328 : index
      %get3A_366 = arith.constant 0 : index
      %get3A_367 = vector.load %arg10[%get3A_365, %get3A_366] : memref<4096x8xf32, #tpu.memory_space<vmem>>, vector<256x8xf32>
      %dot_general3A_368 = arith.constant dense<0.000000e+00> : vector<256x8xf32>
      %dot_general3A_369 = tpu.matmul %convert_element_type3A_102, %get3A_367, %dot_general3A_368 {dimension_numbers = #tpu.dot_dimension_numbers<[1], [0], [0], [1], [0, 0, 1, 1], [], []>, precision = #tpu.contract_precision<fp32>, transpose_lhs_hint = false} : vector<256x256xf32>, vector<256x8xf32>, vector<256x8xf32> -> vector<256x8xf32>
      %add3A_370 = arith.addf %dot_general3A_81, %add3A_364 : vector<1x8xf32>
      %add3A_371 = vector.broadcast %add3A_370 : vector<1x8xf32> to vector<256x8xf32>
      %add3A_372 = arith.addf %add3A_371, %dot_general3A_369 : vector<256x8xf32>
      %mul3A_373 = arith.mulf %get3A_367, %add3A_372 : vector<256x8xf32>
      %reduce_sum3A_374 = arith.constant dense<0.000000e+00> : vector<256xf32>
      %reduce_sum3A_375 = vector.multi_reduction <add>, %mul3A_373, %reduce_sum3A_374 [1] : vector<256x8xf32> to vector<256xf32>
      %broadcast_in_dim3A_376 = vector.shape_cast %reduce_sum3A_375 : vector<256xf32> to vector<256x1xf32>
      %convert_element_type3A_377 = arith.fptosi %broadcast_in_dim3A_376 : vector<256x1xf32> to vector<256x1xi32>
      %swap3A_378 = arith.constant 3328 : index
      %swap3A_379 = arith.constant 0 : index
      %swap3A_380 = vector.load %arg8[%swap3A_378, %swap3A_379] : memref<4096x1xi32, #tpu.memory_space<vmem>>, vector<256x1xi32>
      tpu.vector_store %arg8[%swap3A_378, %swap3A_379], %convert_element_type3A_377 {strides = array<i32>} : memref<4096x1xi32, #tpu.memory_space<vmem>>, vector<256x1xi32>,
      %reduce_sum3A_381 = arith.constant dense<0.000000e+00> : vector<8xf32>
      %reduce_sum3A_382 = vector.multi_reduction <add>, %get3A_367, %reduce_sum3A_381 [0] : vector<256x8xf32> to vector<8xf32>
      %broadcast_in_dim3A_383 = vector.shape_cast %reduce_sum3A_382 : vector<8xf32> to vector<1x8xf32>
      %add3A_384 = arith.addf %add3A_364, %broadcast_in_dim3A_383 : vector<1x8xf32>
      %get3A_385 = arith.constant 3584 : index
      %get3A_386 = arith.constant 0 : index
      %get3A_387 = vector.load %arg10[%get3A_385, %get3A_386] : memref<4096x8xf32, #tpu.memory_space<vmem>>, vector<256x8xf32>
      %dot_general3A_388 = arith.constant dense<0.000000e+00> : vector<256x8xf32>
      %dot_general3A_389 = tpu.matmul %convert_element_type3A_102, %get3A_387, %dot_general3A_388 {dimension_numbers = #tpu.dot_dimension_numbers<[1], [0], [0], [1], [0, 0, 1, 1], [], []>, precision = #tpu.contract_precision<fp32>, transpose_lhs_hint = false} : vector<256x256xf32>, vector<256x8xf32>, vector<256x8xf32> -> vector<256x8xf32>
      %add3A_390 = arith.addf %dot_general3A_81, %add3A_384 : vector<1x8xf32>
      %add3A_391 = vector.broadcast %add3A_390 : vector<1x8xf32> to vector<256x8xf32>
      %add3A_392 = arith.addf %add3A_391, %dot_general3A_389 : vector<256x8xf32>
      %mul3A_393 = arith.mulf %get3A_387, %add3A_392 : vector<256x8xf32>
      %reduce_sum3A_394 = arith.constant dense<0.000000e+00> : vector<256xf32>
      %reduce_sum3A_395 = vector.multi_reduction <add>, %mul3A_393, %reduce_sum3A_394 [1] : vector<256x8xf32> to vector<256xf32>
      %broadcast_in_dim3A_396 = vector.shape_cast %reduce_sum3A_395 : vector<256xf32> to vector<256x1xf32>
      %convert_element_type3A_397 = arith.fptosi %broadcast_in_dim3A_396 : vector<256x1xf32> to vector<256x1xi32>
      %swap3A_398 = arith.constant 3584 : index
      %swap3A_399 = arith.constant 0 : index
      %swap3A_400 = vector.load %arg8[%swap3A_398, %swap3A_399] : memref<4096x1xi32, #tpu.memory_space<vmem>>, vector<256x1xi32>
      tpu.vector_store %arg8[%swap3A_398, %swap3A_399], %convert_element_type3A_397 {strides = array<i32>} : memref<4096x1xi32, #tpu.memory_space<vmem>>, vector<256x1xi32>,
      %reduce_sum3A_401 = arith.constant dense<0.000000e+00> : vector<8xf32>
      %reduce_sum3A_402 = vector.multi_reduction <add>, %get3A_387, %reduce_sum3A_401 [0] : vector<256x8xf32> to vector<8xf32>
      %broadcast_in_dim3A_403 = vector.shape_cast %reduce_sum3A_402 : vector<8xf32> to vector<1x8xf32>
      %add3A_404 = arith.addf %add3A_384, %broadcast_in_dim3A_403 : vector<1x8xf32>
      %get3A_405 = arith.constant 3840 : index
      %get3A_406 = arith.constant 0 : index
      %get3A_407 = vector.load %arg10[%get3A_405, %get3A_406] : memref<4096x8xf32, #tpu.memory_space<vmem>>, vector<256x8xf32>
      %dot_general3A_408 = arith.constant dense<0.000000e+00> : vector<256x8xf32>
      %dot_general3A_409 = tpu.matmul %convert_element_type3A_102, %get3A_407, %dot_general3A_408 {dimension_numbers = #tpu.dot_dimension_numbers<[1], [0], [0], [1], [0, 0, 1, 1], [], []>, precision = #tpu.contract_precision<fp32>, transpose_lhs_hint = false} : vector<256x256xf32>, vector<256x8xf32>, vector<256x8xf32> -> vector<256x8xf32>
      %add3A_410 = arith.addf %dot_general3A_81, %add3A_404 : vector<1x8xf32>
      %add3A_411 = vector.broadcast %add3A_410 : vector<1x8xf32> to vector<256x8xf32>
      %add3A_412 = arith.addf %add3A_411, %dot_general3A_409 : vector<256x8xf32>
      %mul3A_413 = arith.mulf %get3A_407, %add3A_412 : vector<256x8xf32>
      %reduce_sum3A_414 = arith.constant dense<0.000000e+00> : vector<256xf32>
      %reduce_sum3A_415 = vector.multi_reduction <add>, %mul3A_413, %reduce_sum3A_414 [1] : vector<256x8xf32> to vector<256xf32>
      %broadcast_in_dim3A_416 = vector.shape_cast %reduce_sum3A_415 : vector<256xf32> to vector<256x1xf32>
      %convert_element_type3A_417 = arith.fptosi %broadcast_in_dim3A_416 : vector<256x1xf32> to vector<256x1xi32>
      %swap3A_418 = arith.constant 3840 : index
      %swap3A_419 = arith.constant 0 : index
      %swap3A_420 = vector.load %arg8[%swap3A_418, %swap3A_419] : memref<4096x1xi32, #tpu.memory_space<vmem>>, vector<256x1xi32>
      tpu.vector_store %arg8[%swap3A_418, %swap3A_419], %convert_element_type3A_417 {strides = array<i32>} : memref<4096x1xi32, #tpu.memory_space<vmem>>, vector<256x1xi32>,
    } else {
    }
    return
  }
  func.func @transform_0(%arg0: i32) -> (i32, i32) {
    %c0_i32 = arith.constant 0 : i32
    %c0_i32_0 = arith.constant 0 : i32
    return %arg0, %c0_i32 : i32, i32
  }
  func.func @transform_1(%arg0: i32) -> (i32, i32) {
    %c0_i32 = arith.constant 0 : i32
    %c0_i32_0 = arith.constant 0 : i32
    %c0_i32_1 = arith.constant 0 : i32
    return %c0_i32, %c0_i32_0 : i32, i32
  }
  func.func @transform_2(%arg0: i32) -> (i32, i32) {
    %c0_i32 = arith.constant 0 : i32
    %c0_i32_0 = arith.constant 0 : i32
    %c0_i32_1 = arith.constant 0 : i32
    return %c0_i32, %c0_i32_0 : i32, i32
  }
  func.func @transform_3(%arg0: i32) -> (i32, i32) {
    %c0_i32 = arith.constant 0 : i32
    %c0_i32_0 = arith.constant 0 : i32
    return %arg0, %c0_i32 : i32, i32
  }
  func.func @transform_4(%arg0: i32) -> (i32, i32) {
    %c0_i32 = arith.constant 0 : i32
    %c0_i32_0 = arith.constant 0 : i32
    return %arg0, %c0_i32 : i32, i32
  }
  func.func @transform_5(%arg0: i32) -> (i32, i32) {
    %c0_i32 = arith.constant 0 : i32
    %c0_i32_0 = arith.constant 0 : i32
    %c0_i32_1 = arith.constant 0 : i32
    return %c0_i32, %c0_i32_0 : i32, i32
  }
  func.func @transform_6(%arg0: i32) -> (i32, i32) {
    %c0_i32 = arith.constant 0 : i32
    %c0_i32_0 = arith.constant 0 : i32
    %c0_i32_1 = arith.constant 0 : i32
    return %c0_i32, %c0_i32_0 : i32, i32
  }
  func.func @transform_7(%arg0: i32) -> (i32, i32) {
    %c0_i32 = arith.constant 0 : i32
    %c0_i32_0 = arith.constant 0 : i32
    %c0_i32_1 = arith.constant 0 : i32
    return %c0_i32, %c0_i32_0 : i32, i32
  }
  func.func @transform_8(%arg0: i32) -> (i32, i32) {
    %c0_i32 = arith.constant 0 : i32
    %c0_i32_0 = arith.constant 0 : i32
    %c0_i32_1 = arith.constant 0 : i32
    return %c0_i32, %c0_i32_0 : i32, i32
  }
}

</mosaic_0001>

<sc_bundles>
// kernel: kernel.6.cloned.1.call-start
scs
__scs_entry_jumppad:
0x0: {  	(pc) =	sbr.rel $0x88, $3  }
0x1: {  	(tag) =	ssettag $0x0;
	lr =	simm.s32 $0x1  }
0x2: {  	[smem:$0x3F9C] =	sst lr;
	_ =	strace $0xD0000000  }
0x3: {  	_ = 	snop  }
0x4: {  	_ = 	snop  }
0x5: {  	_ = 	snop  }
0x6: {  	_ = 	snop  }
0x7: {  	_ = 	snop  }
__scs_overlays_trampoline_lowered:
0x8: {  	[smem:$0x3FAB] =	sst s0  }
0x9: {  	[smem:$0x3FAC] =	sst s1  }
0xa: {  	[smem:$0x3FAD] =	sst s2  }
0xb: {  	[smem:$0x3FAE] =	sst s3  }
0xc: {  	[smem:$0x3FAF] =	sst s4  }
0xd: {  	[smem:$0x3FB0] =	sst s5  }
0xe: {  	[smem:$0x3FB1] =	sst s6  }
0xf: {  	[smem:$0x3FB2] =	sst s7  }
0x10: {  	[smem:$0x3FB3] =	sst s8  }
0x11: {  	[smem:$0x3FB4] =	sst s9;
	s0 =	simm.s32 @!p0 $0x0  }
0x12: {  	s1 =	sld [smem:$0x3F9A];
	s0 =	simm.s32 @p0 $0x1  }
0x13: {  	[smem:$0x3FB5] =	sst s0;
	s0 =	simm.s32 @!p1 $0x0  }
0x14: {  	s2 =	sld [smem:$0x3F99];
	s0 =	simm.s32 @p1 $0x1  }
0x15: {  	[smem:$0x3FB6] =	sst s0;
	s0 =	simm.s32 @!p2 $0x0  }
0x16: {  	s3 =	sld [smem:$0x3FDB];
	s0 =	simm.s32 @p2 $0x1  }
0x17: {  	s4 =	simm.s32 $0x1BF5;
	[smem:$0x3FB8] =	sst s0  }
0x18: {  	s0 =	sld [smem:$0x3F9B];
	_ =	swait.ge [sflag:s4], $0x0  }
0x19: {  	s7 =	sld [smem:$0x3F9C]  }
0x1a: {  	s8 =	sadd.s32 $0xFFFFE003, lr  }
0x1b: {  	s9 =	sadd.s32 $0xFFFFFEF7, lr;
	s5 =	simm.s32 $0xFFFFFFFF;
	p2 =	slt.u32 s8, $0xFFFFF086  }
0x1c: {  	p1 =	slt.u32 s9, $0xF7A;
	s5 =	simm.s32 @!p2 $0x0  }
0x1d: {  	s5 =	simm.s32 @p1 $0x1;
	p0 =	seq.s32 s7, s2  }
0x1e: {  	s7 =	smul.u32 @!p0 $0xF7A, s2;
	p2 =	seq.s32 @!p0 s5, $0x0  }
0x1f: {  	s9 =	smul.u32 $0xF7A, s1;
	s8 =	simm.s32 @!p0 $0x1BF5;
	p2 =	por !p2, p0  }
0x20: {  	[sflag:s8] =	ssyncset.s32 @!p0 $0xFFFFF086;
	s6 =	sadd.s32 @!p0 s3, s7;
	s7 =	simm.s32 @!p0 $0x108  }
0x21: {  	s3 =	sadd.s32 s3, s9;
	s6 =	sadd.s32 @!p0 $0x88, s6;
	s7 =	simm.s32 @p2 $0x1082  }
0x22: {  	[simem:s7], [sflag:s8] =	dma.local @!p0 [hbm:s6], $0xF7A  }
0x23: {  	s9 =	sor.u32 $0xD0000000, s2;
	s6 =	simm.s32 $0x108;
	_ =	swait.ge @!p0 [sflag:s8], $0x0  }
0x24: {  	s3 =	sadd.s32 $0x88, s3;
	s6 =	simm.s32 @!p1 $0x1082;
	[sflag:s4] =	ssyncset.s32 $0xFFFFF086  }
0x25: {  	[simem:s6], [sflag:s4] =	dma.local [hbm:s3], $0xF7A  }
0x26: {  	[smem:$0x3F9C] =	sst s1;
	(tag) =	ssettag s2;
	_ =	strace s9  }
0x27: {  	s1 =	sld [smem:$0x3FAC]  }
0x28: {  	s2 =	sld [smem:$0x3FAD]  }
0x29: {  	s4 =	sld [smem:$0x3FAF]  }
0x2a: {  	p0 =	seq.s32 s5, $0x0;
	s5 =	sld [smem:$0x3FB0]  }
0x2b: {  	s6 =	sld [smem:$0x3FB1]  }
0x2c: {  	s7 =	sld [smem:$0x3FB2]  }
0x2d: {  	s3 =	simm.s32 $0x108;
	s8 =	sld [smem:$0x3FB3]  }
0x2e: {  	s3 =	simm.s32 @!p0 $0x1082;
	s9 =	sld [smem:$0x3FB4]  }
0x2f: {  	lr =	sadd.s32 s0, s3;
	s0 =	sld [smem:$0x3FAB]  }
0x30: {  	s3 =	sld [smem:$0x3FAE]  }
0x31: {  	[smem:$0x3FB7] =	sst s10  }
0x32: {  	s10 =	sld [smem:$0x3FB5];
	_ =	sdelay $0x3  }
0x33: {  	p0 =	seq.s32 s10, $0x1;
	s10 =	sld [smem:$0x3FB7];
	_ =	sdelay $0x3  }
0x34: {  	[smem:$0x3FB7] =	sst s10  }
0x35: {  	s10 =	sld [smem:$0x3FB6];
	_ =	sdelay $0x3  }
0x36: {  	p1 =	seq.s32 s10, $0x1;
	s10 =	sld [smem:$0x3FB7];
	_ =	sdelay $0x3  }
0x37: {  	[smem:$0x3FB7] =	sst s10  }
0x38: {  	s10 =	sld [smem:$0x3FB8]  }
0x39: {  	_ = 	snop;
	(pc) =	sbr.ind lr, $3  }
0x3a: {  	_ = 	snop  }
0x3b: {  	_ = 	snop  }
0x3c: {  	p2 =	seq.s32 s10, $0x1;
	s10 =	sld [smem:$0x3FB7]  }
0x3d: {  	_ =	shalt  }
0x3e: {  	_ =	shalt  }
0x3f: {  	_ =	shalt  }
0x40: {  	_ =	shalt  }
0x41: {  	_ =	shalt  }
0x42: {  	_ =	shalt  }
0x43: {  	_ =	shalt  }
0x44: {  	_ =	shalt  }
0x45: {  	_ =	shalt  }
0x46: {  	_ =	shalt  }
0x47: {  	_ =	shalt  }
0x48: {  	_ =	shalt  }
0x49: {  	_ =	shalt  }
0x4a: {  	_ =	shalt  }
0x4b: {  	_ =	shalt  }
0x4c: {  	_ =	shalt  }
0x4d: {  	_ =	shalt  }
0x4e: {  	_ =	shalt  }
0x4f: {  	_ =	shalt  }
0x50: {  	_ =	shalt  }
0x51: {  	_ =	shalt  }
0x52: {  	_ =	shalt  }
0x53: {  	_ =	shalt  }
0x54: {  	_ =	shalt  }
0x55: {  	_ =	shalt  }
0x56: {  	_ =	shalt  }
0x57: {  	_ =	shalt  }
0x58: {  	_ =	shalt  }
0x59: {  	_ =	shalt  }
0x5a: {  	_ =	shalt  }
0x5b: {  	_ =	shalt  }
0x5c: {  	_ =	shalt  }
0x5d: {  	_ =	shalt  }
0x5e: {  	_ =	shalt  }
0x5f: {  	_ =	shalt  }
0x60: {  	_ =	shalt  }
0x61: {  	_ =	shalt  }
0x62: {  	_ =	shalt  }
0x63: {  	_ =	shalt  }
0x64: {  	_ =	shalt  }
0x65: {  	_ =	shalt  }
0x66: {  	_ =	shalt  }
0x67: {  	_ =	shalt  }
0x68: {  	_ =	shalt  }
0x69: {  	_ =	shalt  }
0x6a: {  	_ =	shalt  }
0x6b: {  	_ =	shalt  }
0x6c: {  	_ =	shalt  }
0x6d: {  	_ =	shalt  }
0x6e: {  	_ =	shalt  }
0x6f: {  	_ =	shalt  }
0x70: {  	_ =	shalt  }
0x71: {  	_ =	shalt  }
0x72: {  	_ =	shalt  }
0x73: {  	_ =	shalt  }
0x74: {  	_ =	shalt  }
0x75: {  	_ =	shalt  }
0x76: {  	_ =	shalt  }
0x77: {  	_ =	shalt  }
0x78: {  	_ =	shalt  }
0x79: {  	_ =	shalt  }
0x7a: {  	_ =	shalt  }
0x7b: {  	_ =	shalt  }
0x7c: {  	_ =	shalt  }
0x7d: {  	_ =	shalt  }
0x7e: {  	_ =	shalt  }
0x7f: {  	_ =	shalt  }
0x80: {  	_ =	shalt  }
0x81: {  	_ =	shalt  }
0x82: {  	_ =	shalt  }
0x83: {  	_ =	shalt  }
0x84: {  	_ =	shalt  }
0x85: {  	_ =	shalt  }
0x86: {  	_ =	shalt  }
0x87: {  	_ =	shalt  }
.Lfunc_end0:
.L_simem_size_0:
called_computation_lowered:
.L_overlay_start_0:
0x88: {  	s2 =	sld [smem:$0x3FD9]  }
0x89: {  	s3 =	sld [smem:$0x3FFE];
	_ =	sdelay $0x1  }
0x8a: {  	s1 =	srdreg.scid  }
0x8b: {  	s0 =	sand.u32 $0x1, s1  }
0x8c: {  	s14 =	sshll.u32 s0, $0xA;
	s2 =	sadd.s32 s3, s2  }
0x8d: {  	s2 =	sadd.s32 s2, s14  }
0x8e: {  	[smem:$0x3FC3] =	sst s2  }
0x8f: {  	_ = 	snop  }
0x90: {  	s2 =	sld [smem:$0x3FD0];
	_ =	sdelay $0x2  }
0x91: {  	s15 =	simm.s32 $0xA;
	s4 =	simm.s32 $0x10  }
0x92: {  	[smem:s4], [sflag:s15] =	dma.local [hbm:s2], $0x1  }
0x93: {  	_ =	swait.eq [sflag:s15], $0x1  }
0x94: {  	[sflag:s15] =	ssyncset.done $0x0  }
0x95: {  	[sflag:s15] =	ssyncadd.s32 $0xFFFFFFFF  }
0x96: {  	s16 =	sld [smem:$0x10];
	(tm) =	ssettm $0x1  }
0x97: {  	s17 =	sld [smem:$0x3FFB];
	_ =	sdelay $0x3  }
0x98: {  	_ =	strace s17  }
0x99: {  	s3 =	sld [smem:$0x3FFC];
	_ =	sdelay $0x3  }
0x9a: {  	_ =	strace s3  }
0x9b: {  	s3 =	sld [smem:$0x3FFD];
	_ =	sdelay $0x3  }
0x9c: {  	_ =	strace s3  }
0x9d: {  	_ =	strace $0x8FFFFFFF  }
0x9e: {  	s18 =	sld [smem:$0x3FDB];
	_ =	sdelay $0x1  }
0x9f: {  	s19 =	simm.s32 $_scs_section_size  }
0xa0: {  	s5 =	simm.s32 $_size__tile_overlayer_lowered;
	s6 =	simm.s32 $_tile_overlayer_lowered  }
0xa1: {  	s22 =	simm.s32 $0x1BFF;
	s21 =	sshll.u32 s6, $0x1;
	s3 =	sadd.s32 s19, s18  }
0xa2: {  	s7 =	simm.s32 $0x0;
	s20 =	sshll.u32 s5, $0x1;
	s5 =	sadd.s32 s21, s3  }
0xa3: {  	[timem:s7], [sflag:s22] =	dma.local [hbm:s5], s20  }
0xa4: {  	_ =	swait.ge [sflag:s22], s20  }
0xa5: {  	s4 =	ssub.s32 $0x0, s20;
	[sflag:s22] =	ssyncset.done $0x0  }
0xa6: {  	[sflag:s22] =	ssyncadd.s32 s4;
	_ =	sdelay $0x1  }
0xa7: {  	s23 =	simm.s32 $0x1B8B  }
0xa8: {  	_ =	swait.ge [sflag:s23], $0x1  }
0xa9: {  	[sflag:s23] =	ssyncset.done $0x0  }
0xaa: {  	s25 =	simm.s32 $0x1B8E;
	s24 =	sld [smem:$0x3FFE];
	[sflag:s23] =	ssyncadd.s32 $0xFFFFFFFF  }
0xab: {  	s26 =	simm.s32 $execute0_lowered;
	[smem:$0x3FD2] =	sst s25  }
0xac: {  	s5 =	sshll.u32 s26, $0x1;
	_ =	strace $0x80000046;
	[dreg:$0x1] =	wrdreg $0xFFFFFFFF  }
0xad: {  	s28 =	simm.s32 $_size_execute0_lowered;
	s3 =	sadd.s32 s3, s5;
	[dreg:$0x0] =	wrdreg $0x0  }
0xae: {  	s5 =	sshll.u32 s28, $0x1;
	[dreg:$0x2] =	wrdreg s3  }
0xaf: {  	[dreg:$0x3] =	wrdreg s5  }
0xb0: {  	[dreg:$0x4] =	wrdreg $0xC0  }
0xb1: {  	_ =	task [dreg:s7], $0x5FFFF  }
0xb2: {  	[dreg:$0x1] =	wrdreg $0xFFFFFFFF  }
0xb3: {  	[dreg:$0x0] =	wrdreg $0x60  }
0xb4: {  	[dreg:$0x2] =	wrdreg s16  }
0xb5: {  	[dreg:$0x3] =	wrdreg s24  }
0xb6: {  	[dreg:$0x4] =	wrdreg $0x9  }
0xb7: {  	_ =	task.clear_ibuf [dreg:s7], $0x5FFFF;
	_ =	strace $0x90000046  }
0xb8: {  	s29 =	simm.s32 $0x9;
	_ =	strace $0x80000048  }
0xb9: {  	_ =	swait.ge [sflag:s29], $0x1  }
0xba: {  	[sflag:s29] =	ssyncadd.s32 $0xFFFFFFFF  }
0xbb: {  	_ =	strace $0x90000048  }
0xbc: {  	_ =	sfence  }
0xbd: {  	s30 =	sld [smem:$0x0];
	_ =	sdelay $0x2  }
0xbe: {  	s31 =	sshll.u32 s1, $0xD;
	s1 =	sshrl.u32 s1, $0x2  }
0xbf: {  	s3 =	sand.u32 $0x4000, s31;
	s1 =	sadd.s32 s1, s30  }
0xc0: {  	s0 =	sor.u32 s3, s0;
	s1 =	sshll.u32 s1, $0x11  }
0xc1: {  	s0 =	sor.u32 s1, s0  }
0xc2: {  	s0 =	sadd.s32 $0x8F2B, s0  }
0xc3: {  	[sflag:s0] =	ssyncadd.remote.s32 $0x1  }
0xc4: {  	_ =	sfence.sel $0xFFFF  }
0xc5: {  	[dreg:$0x0] =	wrdreg $0xFFFFFFFF;
	(pc) =	sbr.abs _section_cstart, $3  }
0xc6: {  	[dreg:$0x1] =	wrdreg $0xFFFFFFFF  }
0xc7: {  	_ =	task.clear_ibuf [dreg:s7], $0x2FFFF;
	_ =	strace $0x9FFFFFFF  }
0xc8: {  	(tm) =	ssettm $0x7FFFFFFF  }
0xc9: {  	_ =	shalt  }
tec
execute0_lowered:
.L_overlay_start_1:
0x0: {  	(tag) =	ssettag $0x1  }
0x1: {  	s0 =	rddreg [dreg:$0x1];
	s2 =	simm.s32 $0x0  }
0x2: {  	s1 =	srdreg.scid;
	s9 =	stileid.u32;
	s13 =	simm.s32 $0x3  }
0x3: {  	s14 =	simm.s32 $0x80;
	s15 =	simm.s32 $0x10080;
	s29 =	simm.s32 $0x1  }
0x4: {  	s30 =	simm.s32 $0x2;
	s17 =	simm.s32 $0x9880;
	s18 =	simm.s32 $0xA080  }
0x5: {  	s19 =	simm.s32 $0xA880;
	s20 =	simm.s32 $0xB080;
	s21 =	simm.s32 $0xB880  }
0x6: {  	s22 =	simm.s32 $0xC080;
	s23 =	simm.s32 $0xC880;
	s24 =	simm.s32 $0xD080  }
0x7: {  	s25 =	simm.s32 $0xD880;
	s28 =	simm.s32 $0xE880;
	s12 =	simm.s32 $0xF080  }
0x8: {  	[smem:$0x7FF] =	sst s2;
	s3 =	sadd.s32 $0x800, s0;
	s1 =	sand.u32 $0x1, s1  }
0x9: {  	s5 =	sadd.s32 $0x10800, s0;
	s6 =	sadd.s32 $0x28A00, s0;
	s7 =	sadd.s32 $0x10A00, s0  }
0xa: {  	s26 =	sshll.u32 s9, $0x8;
	s9 =	sadd.s32 $0x28B00, s0;
	s4 =	ssub.s32 $0x2, s1  }
0xb: {  	s10 =	sadd.s32 $0x28C00, s0;
	s11 =	sadd.s32 $0x28D00, s0;
	s8 =	sshrl.u32 s4, $0x1  }
0xc: {  	v2 =	vlaneseq.u32;
	_ =	strace $0x80000047;
	s1 =	sshll.u32 s1, $0x7;
	s4 =	ssub.s32 s4, s8  }
0xd: {  	vm0 =	vmmov $0xffff;
	v1 =	vshrl.u32 v2, $0x3;
	s8 =	sor.u32 s1, s26;
	s1 =	simm.s32 $0x0;
	s31 =	smax.u32 s4, $0x1  }
0xe: {  	v0 =	vand.u32 $0x7, v2;
	v2 =	vor.u32 $0x8, v2;
	v1 =	vmul.u32 $0x8, v1;
	s26 =	simm.s32 $0xE080;
	s4 =	simm.s32 $0x9080;
	[dreg:$0x3] =	wrdreg s31  }
.LBB2_1:
0xf: {  	[dreg:$0x4] =	wrdreg s1  }
0x10: {  	p0 =	por $0x1, $0x1;
	s31 =	simm.s32 $0x0;
	s1 =	simm.s32 $0xF880  }
.LBB2_2:
0x11: {  	s31 =	sor.u32 s8, s31  }
0x12: {  	s0 =	sshrl.u32 s31, $0x3  }
0x13: {  	s0 =	sadd.s32 s5, s0  }
0x14: {  	[tilespmem:s2], [sflag:$0x3] =	stream.linear.gather [hbm4b:s0+s2], $0x40, $0x38;
	[tilespmem:$0x12080] =	vst v63  }
0x15: {  	_ =	swait.ge [sflag:s13], $0x40  }
0x16: {  	[sflag:s13] =	ssyncset.done $0x0  }
0x17: {  	[sflag:s13] =	ssyncadd.s32 $0xFFFFFFC0  }
0x18: {  	s0 =	sshll.u32 s31, $0x7;
	s16 =	rddreg [dreg:$0x0]  }
0x19: {  	s0 =	sadd.s32 s16, s0  }
0x1a: {  	[tilespmem:s14], [sflag:$0x3] =	stream.linear.gather [hbm4b:s0+s2], $0x10000, $0x38;
	[tilespmem:$0x12080] =	vst v63  }
0x1b: {  	_ =	swait.ge [sflag:s13], $0x10000  }
0x1c: {  	s16 =	sshll.u32 s31, $0x4;
	[sflag:s13] =	ssyncset.done $0x0  }
0x1d: {  	s0 =	sadd.s32 s3, s16;
	[sflag:s13] =	ssyncadd.s32 $0xFFFF0000  }
0x1e: {  	[tilespmem:s15], [sflag:$0x3] =	stream.linear.gather [hbm4b:s0+s2], $0x2000, $0x38;
	[tilespmem:$0x12080] =	vst v63  }
0x1f: {  	_ =	swait.ge [sflag:s13], $0x2000  }
0x20: {  	[sflag:s13] =	ssyncset.done $0x0  }
0x21: {  	[sflag:s13] =	ssyncadd.s32 $0xFFFFE000  }
0x22: {  	v3 =	vld [tilespmem:$0x0];
	_ =	sdelay $0x4  }
0x23: {  	v4 =	vshll.u32 v3, $0x3  }
0x24: {  	v3 =	vand.u32 $0x7, v3;
	v4 =	vand.u32 $0xFFFFFFC0, v4  }
0x25: {  	v3 =	vor.u32 v3, v4  }
0x26: {  	v4 =	vperm.xlane v3, v0;
	_ =	sdelay $0x1  }
0x27: {  	v4 =	vadd.s32 v1, v4;
	_ =	sdelay $0x4  }
0x28: {  	[hbm4b:s6+s2] =	stream.indirect_vreg.scatter [tilespmem:s14], [sflag:$0x1], $0x80, v4, vm0, $0xb8;
	[tilespmem:$0x12080] =	vst v63  }
0x29: {  	s16 =	simm.s32 $0x880;
	v3 =	vperm.xlane v3, v2  }
0x2a: {  	[hbm4b:s9+s2] =	stream.indirect_vreg.scatter [tilespmem:s16], [sflag:$0x1], $0x80, v4, vm0, $0xb8;
	[tilespmem:$0x12080] =	vst v63  }
0x2b: {  	v3 =	vadd.s32 v1, v3;
	s16 =	simm.s32 $0x1080  }
0x2c: {  	[hbm4b:s10+s2] =	stream.indirect_vreg.scatter [tilespmem:s16], [sflag:$0x1], $0x80, v4, vm0, $0xb8;
	[tilespmem:$0x12080] =	vst v63  }
0x2d: {  	s16 =	simm.s32 $0x1880  }
0x2e: {  	[hbm4b:s11+s2] =	stream.indirect_vreg.scatter [tilespmem:s16], [sflag:$0x1], $0x80, v4, vm0, $0xb8;
	[tilespmem:$0x12080] =	vst v63  }
0x2f: {  	s16 =	simm.s32 $0x2080  }
0x30: {  	[hbm4b:s6+s2] =	stream.indirect_vreg.scatter [tilespmem:s16], [sflag:$0x1], $0x80, v3, vm0, $0xb8;
	[tilespmem:$0x12080] =	vst v63  }
0x31: {  	s16 =	simm.s32 $0x2880  }
0x32: {  	[hbm4b:s9+s2] =	stream.indirect_vreg.scatter [tilespmem:s16], [sflag:$0x1], $0x80, v3, vm0, $0xb8;
	[tilespmem:$0x12080] =	vst v63  }
0x33: {  	s16 =	simm.s32 $0x3080  }
0x34: {  	[hbm4b:s10+s2] =	stream.indirect_vreg.scatter [tilespmem:s16], [sflag:$0x1], $0x80, v3, vm0, $0xb8;
	[tilespmem:$0x12080] =	vst v63  }
0x35: {  	s16 =	simm.s32 $0x3880  }
0x36: {  	[hbm4b:s11+s2] =	stream.indirect_vreg.scatter [tilespmem:s16], [sflag:$0x1], $0x80, v3, vm0, $0xb8;
	[tilespmem:$0x12080] =	vst v63  }
0x37: {  	v3 =	vld [tilespmem:$0x10];
	_ =	sdelay $0x4  }
0x38: {  	v61 =	vshll.u32 v3, $0x3  }
0x39: {  	v3 =	vand.u32 $0x7, v3;
	v4 =	vand.u32 $0xFFFFFFC0, v61  }
0x3a: {  	v3 =	vor.u32 v3, v4  }
0x3b: {  	v4 =	vperm.xlane v3, v0;
	_ =	sdelay $0x1  }
0x3c: {  	v4 =	vadd.s32 v1, v4;
	_ =	sdelay $0x3  }
0x3d: {  	s16 =	simm.s32 $0x4080  }
0x3e: {  	[hbm4b:s6+s2] =	stream.indirect_vreg.scatter [tilespmem:s16], [sflag:$0x1], $0x80, v4, vm0, $0xb8;
	[tilespmem:$0x12080] =	vst v63  }
0x3f: {  	v3 =	vperm.xlane v3, v2;
	s16 =	simm.s32 $0x4880  }
0x40: {  	[hbm4b:s9+s2] =	stream.indirect_vreg.scatter [tilespmem:s16], [sflag:$0x1], $0x80, v4, vm0, $0xb8;
	[tilespmem:$0x12080] =	vst v63  }
0x41: {  	v3 =	vadd.s32 v1, v3;
	s16 =	simm.s32 $0x5080  }
0x42: {  	[hbm4b:s10+s2] =	stream.indirect_vreg.scatter [tilespmem:s16], [sflag:$0x1], $0x80, v4, vm0, $0xb8;
	[tilespmem:$0x12080] =	vst v63  }
0x43: {  	s16 =	simm.s32 $0x5880  }
0x44: {  	[hbm4b:s11+s2] =	stream.indirect_vreg.scatter [tilespmem:s16], [sflag:$0x1], $0x80, v4, vm0, $0xb8;
	[tilespmem:$0x12080] =	vst v63  }
0x45: {  	s16 =	simm.s32 $0x6080  }
0x46: {  	[hbm4b:s6+s2] =	stream.indirect_vreg.scatter [tilespmem:s16], [sflag:$0x1], $0x80, v3, vm0, $0xb8;
	[tilespmem:$0x12080] =	vst v63  }
0x47: {  	s16 =	simm.s32 $0x6880  }
0x48: {  	[hbm4b:s9+s2] =	stream.indirect_vreg.scatter [tilespmem:s16], [sflag:$0x1], $0x80, v3, vm0, $0xb8;
	[tilespmem:$0x12080] =	vst v63  }
0x49: {  	s16 =	simm.s32 $0x7080  }
0x4a: {  	[hbm4b:s10+s2] =	stream.indirect_vreg.scatter [tilespmem:s16], [sflag:$0x1], $0x80, v3, vm0, $0xb8;
	[tilespmem:$0x12080] =	vst v63  }
0x4b: {  	s16 =	simm.s32 $0x7880  }
0x4c: {  	[hbm4b:s11+s2] =	stream.indirect_vreg.scatter [tilespmem:s16], [sflag:$0x1], $0x80, v3, vm0, $0xb8;
	[tilespmem:$0x12080] =	vst v63  }
0x4d: {  	v3 =	vld [tilespmem:$0x20];
	_ =	sdelay $0x4  }
0x4e: {  	v62 =	vshll.u32 v3, $0x3  }
0x4f: {  	v3 =	vand.u32 $0x7, v3;
	v4 =	vand.u32 $0xFFFFFFC0, v62  }
0x50: {  	v3 =	vor.u32 v3, v4  }
0x51: {  	v4 =	vperm.xlane v3, v0;
	_ =	sdelay $0x1  }
0x52: {  	v4 =	vadd.s32 v1, v4;
	_ =	sdelay $0x3  }
0x53: {  	s16 =	simm.s32 $0x8080  }
0x54: {  	[hbm4b:s6+s2] =	stream.indirect_vreg.scatter [tilespmem:s16], [sflag:$0x1], $0x80, v4, vm0, $0xb8;
	[tilespmem:$0x12080] =	vst v63  }
0x55: {  	v3 =	vperm.xlane v3, v2;
	s16 =	simm.s32 $0x8880  }
0x56: {  	[hbm4b:s9+s2] =	stream.indirect_vreg.scatter [tilespmem:s16], [sflag:$0x1], $0x80, v4, vm0, $0xb8;
	[tilespmem:$0x12080] =	vst v63  }
0x57: {  	v3 =	vadd.s32 v1, v3  }
0x58: {  	[hbm4b:s10+s2] =	stream.indirect_vreg.scatter [tilespmem:s4], [sflag:$0x1], $0x80, v4, vm0, $0xb8;
	[tilespmem:$0x12080] =	vst v63  }
0x59: {  	_ = 	snop  }
0x5a: {  	[hbm4b:s11+s2] =	stream.indirect_vreg.scatter [tilespmem:s17], [sflag:$0x1], $0x80, v4, vm0, $0xb8;
	[tilespmem:$0x12080] =	vst v63  }
0x5b: {  	_ = 	snop  }
0x5c: {  	[hbm4b:s6+s2] =	stream.indirect_vreg.scatter [tilespmem:s18], [sflag:$0x1], $0x80, v3, vm0, $0xb8;
	[tilespmem:$0x12080] =	vst v63  }
0x5d: {  	_ = 	snop  }
0x5e: {  	[hbm4b:s9+s2] =	stream.indirect_vreg.scatter [tilespmem:s19], [sflag:$0x1], $0x80, v3, vm0, $0xb8;
	[tilespmem:$0x12080] =	vst v63  }
0x5f: {  	_ = 	snop  }
0x60: {  	[hbm4b:s10+s2] =	stream.indirect_vreg.scatter [tilespmem:s20], [sflag:$0x1], $0x80, v3, vm0, $0xb8;
	[tilespmem:$0x12080] =	vst v63  }
0x61: {  	_ = 	snop  }
0x62: {  	[hbm4b:s11+s2] =	stream.indirect_vreg.scatter [tilespmem:s21], [sflag:$0x1], $0x80, v3, vm0, $0xb8;
	[tilespmem:$0x12080] =	vst v63  }
0x63: {  	v3 =	vld [tilespmem:$0x30];
	_ =	sdelay $0x4  }
0x64: {  	v63 =	vshll.u32 v3, $0x3  }
0x65: {  	v3 =	vand.u32 $0x7, v3;
	v4 =	vand.u32 $0xFFFFFFC0, v63  }
0x66: {  	v3 =	vor.u32 v3, v4  }
0x67: {  	v4 =	vperm.xlane v3, v0;
	_ =	sdelay $0x1  }
0x68: {  	v4 =	vadd.s32 v1, v4;
	_ =	sdelay $0x4  }
0x69: {  	[hbm4b:s6+s2] =	stream.indirect_vreg.scatter [tilespmem:s22], [sflag:$0x1], $0x80, v4, vm0, $0xb8;
	[tilespmem:$0x12080] =	vst v63  }
0x6a: {  	v3 =	vperm.xlane v3, v2  }
0x6b: {  	[hbm4b:s9+s2] =	stream.indirect_vreg.scatter [tilespmem:s23], [sflag:$0x1], $0x80, v4, vm0, $0xb8;
	[tilespmem:$0x12080] =	vst v63  }
0x6c: {  	v3 =	vadd.s32 v1, v3  }
0x6d: {  	[hbm4b:s10+s2] =	stream.indirect_vreg.scatter [tilespmem:s24], [sflag:$0x1], $0x80, v4, vm0, $0xb8;
	[tilespmem:$0x12080] =	vst v63  }
0x6e: {  	_ = 	snop  }
0x6f: {  	[hbm4b:s11+s2] =	stream.indirect_vreg.scatter [tilespmem:s25], [sflag:$0x1], $0x80, v4, vm0, $0xb8;
	[tilespmem:$0x12080] =	vst v63  }
0x70: {  	_ = 	snop  }
0x71: {  	[hbm4b:s6+s2] =	stream.indirect_vreg.scatter [tilespmem:s26], [sflag:$0x1], $0x80, v3, vm0, $0xb8;
	[tilespmem:$0x12080] =	vst v63  }
0x72: {  	_ = 	snop  }
0x73: {  	[hbm4b:s9+s2] =	stream.indirect_vreg.scatter [tilespmem:s28], [sflag:$0x1], $0x80, v3, vm0, $0xb8;
	[tilespmem:$0x12080] =	vst v63  }
0x74: {  	_ = 	snop  }
0x75: {  	[hbm4b:s10+s2] =	stream.indirect_vreg.scatter [tilespmem:s12], [sflag:$0x1], $0x80, v3, vm0, $0xb8;
	[tilespmem:$0x12080] =	vst v63  }
0x76: {  	_ = 	snop  }
0x77: {  	[hbm4b:s11+s2] =	stream.indirect_vreg.scatter [tilespmem:s1], [sflag:$0x1], $0x80, v3, vm0, $0xb8;
	[tilespmem:$0x12080] =	vst v63  }
0x78: {  	s31 =	simm.s32 $0x40  }
0x79: {  	[hbm4b:s7+s31] =	stream.indirect.scatter [tilespmem:s15], [sflag:$0x2], $0x80, s2, s31, $0xb8;
	[tilespmem:$0x12080] =	vst v63  }
0x7a: {  	p1 =	por p0, p0;
	_ =	swait.ge [sflag:s29], $0x10000  }
.Ltmp0:
0x7b: {  	[sflag:s29] =	ssyncset.done $0x0;
	(pc) =	sbr.rel @p1 .LBB2_2-.Ltmp0, $4  }
0x7c: {  	[sflag:s29] =	ssyncadd.s32 $0xFFFF0000  }
0x7d: {  	_ =	swait.ge [sflag:s30], $0x2000  }
0x7e: {  	[sflag:s30] =	ssyncset.done $0x0  }
0x7f: {  	p0 =	por $0x0, $0x0;
	[sflag:s30] =	ssyncadd.s32 $0xFFFFE000  }
0x80: {  	s1 =	rddreg [dreg:$0x4]  }
0x81: {  	s0 =	rddreg [dreg:$0x3];
	s1 =	sadd.s32 $0x1, s1  }
0x82: {  	p0 =	sne.s32 s1, s0  }
.Ltmp1:
0x83: {  	_ = 	snop;
	(pc) =	sbr.rel @p0 .LBB2_1-.Ltmp1, $1  }
0x84: {  	_ =	sdelay $0x3  }
0x85: {  	_ =	sfence.sel $0x180000  }
0x86: {  	[bflag:$0x0] =	sbarrier.arrive $0xFFFF  }
0x87: {  	_ =	strace $0x90000047  }
0x88: {  	s0 =	stileid.u32;
	[bflag:$0x2] =	sbarrier.arrive $0xFFFF  }
0x89: {  	p0 =	sne.s32 s0, $0x0;
	s0 =	rddreg [dreg:$0x2]  }
0x8a: {  	s0 =	sadd.s32 @!p0 $0x100000, s0  }
0x8b: {  	[sflag:s0] =	ssyncadd.tile.s32 @!p0 $0x1;
	_ =	shalt  }
.Lfunc_end2:
_tile_overlayer_lowered:
.L_overlay_start_2:
0x8c: {  	(tag) =	ssettag $0x2  }
0x8d: {  	s0 =	rddreg [dreg:$0x0];
	s2 =	stileid.u32  }
0x8e: {  	s1 =	rddreg [dreg:$0x1];
	p0 =	sne.s32 s2, $0x0  }
0x8f: {  	s3 =	rddreg [dreg:$0x2];
	[bflag:$0x3] =	sbarrier.arrive $0xFFFF;
	s2 =	simm.s32 @!p0 $0x1C03  }
0x90: {  	[timem:s3], [sflag:s2] =	dma.local @!p0 [hbm:s0], s1  }
0x91: {  	s0 =	simm.s32 @!p0 $0x3  }
0x92: {  	_ =	swait.ge @!p0 [sflag:s0], s1  }
0x93: {  	s1 =	ssub.s32 @!p0 $0x0, s1;
	[sflag:s0] =	ssyncset.done @!p0 $0x0  }
0x94: {  	[sflag:s0] =	ssyncadd.s32 @!p0 s1  }
0x95: {  	[bflag:$0x3] =	sbarrier.arrive $0xFFFF  }
0x96: {  	_ =	shalt  }

// kernel: kernel.9.cloned.1.call-start
scs
__scs_entry_jumppad:
0x0: {  	(pc) =	sbr.rel $0x88, $3  }
0x1: {  	(tag) =	ssettag $0x0;
	lr =	simm.s32 $0x1  }
0x2: {  	[smem:$0x3F9C] =	sst lr;
	_ =	strace $0xD0000000  }
0x3: {  	_ = 	snop  }
0x4: {  	_ = 	snop  }
0x5: {  	_ = 	snop  }
0x6: {  	_ = 	snop  }
0x7: {  	_ = 	snop  }
__scs_overlays_trampoline_lowered:
0x8: {  	[smem:$0x3FAB] =	sst s0  }
0x9: {  	[smem:$0x3FAC] =	sst s1  }
0xa: {  	[smem:$0x3FAD] =	sst s2  }
0xb: {  	[smem:$0x3FAE] =	sst s3  }
0xc: {  	[smem:$0x3FAF] =	sst s4  }
0xd: {  	[smem:$0x3FB0] =	sst s5  }
0xe: {  	[smem:$0x3FB1] =	sst s6  }
0xf: {  	[smem:$0x3FB2] =	sst s7  }
0x10: {  	[smem:$0x3FB3] =	sst s8  }
0x11: {  	[smem:$0x3FB4] =	sst s9;
	s0 =	simm.s32 @!p0 $0x0  }
0x12: {  	s1 =	sld [smem:$0x3F9A];
	s0 =	simm.s32 @p0 $0x1  }
0x13: {  	[smem:$0x3FB5] =	sst s0;
	s0 =	simm.s32 @!p1 $0x0  }
0x14: {  	s2 =	sld [smem:$0x3F99];
	s0 =	simm.s32 @p1 $0x1  }
0x15: {  	[smem:$0x3FB6] =	sst s0;
	s0 =	simm.s32 @!p2 $0x0  }
0x16: {  	s3 =	sld [smem:$0x3FDB];
	s0 =	simm.s32 @p2 $0x1  }
0x17: {  	s4 =	simm.s32 $0x1BF5;
	[smem:$0x3FB8] =	sst s0  }
0x18: {  	s0 =	sld [smem:$0x3F9B];
	_ =	swait.ge [sflag:s4], $0x0  }
0x19: {  	s7 =	sld [smem:$0x3F9C]  }
0x1a: {  	s8 =	sadd.s32 $0xFFFFE003, lr  }
0x1b: {  	s9 =	sadd.s32 $0xFFFFFEF7, lr;
	s5 =	simm.s32 $0xFFFFFFFF;
	p2 =	slt.u32 s8, $0xFFFFF086  }
0x1c: {  	p1 =	slt.u32 s9, $0xF7A;
	s5 =	simm.s32 @!p2 $0x0  }
0x1d: {  	s5 =	simm.s32 @p1 $0x1;
	p0 =	seq.s32 s7, s2  }
0x1e: {  	s7 =	smul.u32 @!p0 $0xF7A, s2;
	p2 =	seq.s32 @!p0 s5, $0x0  }
0x1f: {  	s9 =	smul.u32 $0xF7A, s1;
	s8 =	simm.s32 @!p0 $0x1BF5;
	p2 =	por !p2, p0  }
0x20: {  	[sflag:s8] =	ssyncset.s32 @!p0 $0xFFFFF086;
	s6 =	sadd.s32 @!p0 s3, s7;
	s7 =	simm.s32 @!p0 $0x108  }
0x21: {  	s3 =	sadd.s32 s3, s9;
	s6 =	sadd.s32 @!p0 $0x88, s6;
	s7 =	simm.s32 @p2 $0x1082  }
0x22: {  	[simem:s7], [sflag:s8] =	dma.local @!p0 [hbm:s6], $0xF7A  }
0x23: {  	s9 =	sor.u32 $0xD0000000, s2;
	s6 =	simm.s32 $0x108;
	_ =	swait.ge @!p0 [sflag:s8], $0x0  }
0x24: {  	s3 =	sadd.s32 $0x88, s3;
	s6 =	simm.s32 @!p1 $0x1082;
	[sflag:s4] =	ssyncset.s32 $0xFFFFF086  }
0x25: {  	[simem:s6], [sflag:s4] =	dma.local [hbm:s3], $0xF7A  }
0x26: {  	[smem:$0x3F9C] =	sst s1;
	(tag) =	ssettag s2;
	_ =	strace s9  }
0x27: {  	s1 =	sld [smem:$0x3FAC]  }
0x28: {  	s2 =	sld [smem:$0x3FAD]  }
0x29: {  	s4 =	sld [smem:$0x3FAF]  }
0x2a: {  	p0 =	seq.s32 s5, $0x0;
	s5 =	sld [smem:$0x3FB0]  }
0x2b: {  	s6 =	sld [smem:$0x3FB1]  }
0x2c: {  	s7 =	sld [smem:$0x3FB2]  }
0x2d: {  	s3 =	simm.s32 $0x108;
	s8 =	sld [smem:$0x3FB3]  }
0x2e: {  	s3 =	simm.s32 @!p0 $0x1082;
	s9 =	sld [smem:$0x3FB4]  }
0x2f: {  	lr =	sadd.s32 s0, s3;
	s0 =	sld [smem:$0x3FAB]  }
0x30: {  	s3 =	sld [smem:$0x3FAE]  }
0x31: {  	[smem:$0x3FB7] =	sst s10  }
0x32: {  	s10 =	sld [smem:$0x3FB5];
	_ =	sdelay $0x3  }
0x33: {  	p0 =	seq.s32 s10, $0x1;
	s10 =	sld [smem:$0x3FB7];
	_ =	sdelay $0x3  }
0x34: {  	[smem:$0x3FB7] =	sst s10  }
0x35: {  	s10 =	sld [smem:$0x3FB6];
	_ =	sdelay $0x3  }
0x36: {  	p1 =	seq.s32 s10, $0x1;
	s10 =	sld [smem:$0x3FB7];
	_ =	sdelay $0x3  }
0x37: {  	[smem:$0x3FB7] =	sst s10  }
0x38: {  	s10 =	sld [smem:$0x3FB8]  }
0x39: {  	_ = 	snop;
	(pc) =	sbr.ind lr, $3  }
0x3a: {  	_ = 	snop  }
0x3b: {  	_ = 	snop  }
0x3c: {  	p2 =	seq.s32 s10, $0x1;
	s10 =	sld [smem:$0x3FB7]  }
0x3d: {  	_ =	shalt  }
0x3e: {  	_ =	shalt  }
0x3f: {  	_ =	shalt  }
0x40: {  	_ =	shalt  }
0x41: {  	_ =	shalt  }
0x42: {  	_ =	shalt  }
0x43: {  	_ =	shalt  }
0x44: {  	_ =	shalt  }
0x45: {  	_ =	shalt  }
0x46: {  	_ =	shalt  }
0x47: {  	_ =	shalt  }
0x48: {  	_ =	shalt  }
0x49: {  	_ =	shalt  }
0x4a: {  	_ =	shalt  }
0x4b: {  	_ =	shalt  }
0x4c: {  	_ =	shalt  }
0x4d: {  	_ =	shalt  }
0x4e: {  	_ =	shalt  }
0x4f: {  	_ =	shalt  }
0x50: {  	_ =	shalt  }
0x51: {  	_ =	shalt  }
0x52: {  	_ =	shalt  }
0x53: {  	_ =	shalt  }
0x54: {  	_ =	shalt  }
0x55: {  	_ =	shalt  }
0x56: {  	_ =	shalt  }
0x57: {  	_ =	shalt  }
0x58: {  	_ =	shalt  }
0x59: {  	_ =	shalt  }
0x5a: {  	_ =	shalt  }
0x5b: {  	_ =	shalt  }
0x5c: {  	_ =	shalt  }
0x5d: {  	_ =	shalt  }
0x5e: {  	_ =	shalt  }
0x5f: {  	_ =	shalt  }
0x60: {  	_ =	shalt  }
0x61: {  	_ =	shalt  }
0x62: {  	_ =	shalt  }
0x63: {  	_ =	shalt  }
0x64: {  	_ =	shalt  }
0x65: {  	_ =	shalt  }
0x66: {  	_ =	shalt  }
0x67: {  	_ =	shalt  }
0x68: {  	_ =	shalt  }
0x69: {  	_ =	shalt  }
0x6a: {  	_ =	shalt  }
0x6b: {  	_ =	shalt  }
0x6c: {  	_ =	shalt  }
0x6d: {  	_ =	shalt  }
0x6e: {  	_ =	shalt  }
0x6f: {  	_ =	shalt  }
0x70: {  	_ =	shalt  }
0x71: {  	_ =	shalt  }
0x72: {  	_ =	shalt  }
0x73: {  	_ =	shalt  }
0x74: {  	_ =	shalt  }
0x75: {  	_ =	shalt  }
0x76: {  	_ =	shalt  }
0x77: {  	_ =	shalt  }
0x78: {  	_ =	shalt  }
0x79: {  	_ =	shalt  }
0x7a: {  	_ =	shalt  }
0x7b: {  	_ =	shalt  }
0x7c: {  	_ =	shalt  }
0x7d: {  	_ =	shalt  }
0x7e: {  	_ =	shalt  }
0x7f: {  	_ =	shalt  }
0x80: {  	_ =	shalt  }
0x81: {  	_ =	shalt  }
0x82: {  	_ =	shalt  }
0x83: {  	_ =	shalt  }
0x84: {  	_ =	shalt  }
0x85: {  	_ =	shalt  }
0x86: {  	_ =	shalt  }
0x87: {  	_ =	shalt  }
.Lfunc_end0:
.L_simem_size_0:
called_computation.1_lowered:
.L_overlay_start_0:
0x88: {  	s2 =	sld [smem:$0x3FD9]  }
0x89: {  	s3 =	sld [smem:$0x3FFE];
	_ =	sdelay $0x1  }
0x8a: {  	s1 =	srdreg.scid  }
0x8b: {  	s0 =	sand.u32 $0x1, s1  }
0x8c: {  	s16 =	sshll.u32 s0, $0xA;
	s2 =	sadd.s32 s3, s2  }
0x8d: {  	s2 =	sadd.s32 s2, s16  }
0x8e: {  	[smem:$0x3FC3] =	sst s2  }
0x8f: {  	_ = 	snop  }
0x90: {  	(tm) =	ssettm $0x1  }
0x91: {  	s17 =	sld [smem:$0x3FFB];
	_ =	sdelay $0x3  }
0x92: {  	_ =	strace s17  }
0x93: {  	s2 =	sld [smem:$0x3FFC];
	_ =	sdelay $0x3  }
0x94: {  	_ =	strace s2  }
0x95: {  	s2 =	sld [smem:$0x3FFD];
	_ =	sdelay $0x3  }
0x96: {  	_ =	strace s2  }
0x97: {  	_ =	strace $0x8FFFFFFF  }
0x98: {  	s18 =	sld [smem:$0x3FDB];
	_ =	sdelay $0x1  }
0x99: {  	s19 =	simm.s32 $_scs_section_size  }
0x9a: {  	s4 =	simm.s32 $_size__tile_overlayer_lowered;
	s5 =	simm.s32 $_tile_overlayer_lowered  }
0x9b: {  	s22 =	simm.s32 $0x1BFF;
	s21 =	sshll.u32 s5, $0x1;
	s2 =	sadd.s32 s19, s18  }
0x9c: {  	s6 =	simm.s32 $0x0;
	s20 =	sshll.u32 s4, $0x1;
	s4 =	sadd.s32 s21, s2  }
0x9d: {  	[timem:s6], [sflag:s22] =	dma.local [hbm:s4], s20  }
0x9e: {  	_ =	swait.ge [sflag:s22], s20  }
0x9f: {  	s3 =	ssub.s32 $0x0, s20;
	[sflag:s22] =	ssyncset.done $0x0  }
0xa0: {  	[sflag:s22] =	ssyncadd.s32 s3;
	_ =	sdelay $0x1  }
0xa1: {  	s23 =	simm.s32 $0x1B8B  }
0xa2: {  	_ =	swait.ge [sflag:s23], $0x1  }
0xa3: {  	[sflag:s23] =	ssyncset.done $0x0  }
0xa4: {  	s25 =	simm.s32 $0x1B8E;
	s24 =	sld [smem:$0x3FFE];
	[sflag:s23] =	ssyncadd.s32 $0xFFFFFFFF  }
0xa5: {  	s26 =	simm.s32 $execute0_lowered;
	[smem:$0x3FD2] =	sst s25  }
0xa6: {  	s4 =	sshll.u32 s26, $0x1;
	_ =	strace $0x80000049;
	[dreg:$0x1] =	wrdreg $0xFFFFFFFF  }
0xa7: {  	s28 =	simm.s32 $_size_execute0_lowered;
	s2 =	sadd.s32 s2, s4;
	[dreg:$0x0] =	wrdreg $0x0  }
0xa8: {  	s4 =	sshll.u32 s28, $0x1;
	[dreg:$0x2] =	wrdreg s2  }
0xa9: {  	[dreg:$0x3] =	wrdreg s4  }
0xaa: {  	[dreg:$0x4] =	wrdreg $0xC0  }
0xab: {  	_ =	task [dreg:s6], $0x5FFFF  }
0xac: {  	[dreg:$0x1] =	wrdreg $0xFFFFFFFF  }
0xad: {  	[dreg:$0x0] =	wrdreg $0x60  }
0xae: {  	[dreg:$0x2] =	wrdreg s24  }
0xaf: {  	[dreg:$0x3] =	wrdreg $0x9  }
0xb0: {  	_ =	task.clear_ibuf [dreg:s6], $0x4FFFF;
	_ =	strace $0x90000049  }
0xb1: {  	s29 =	simm.s32 $0x9;
	_ =	strace $0x8000004B  }
0xb2: {  	_ =	swait.ge [sflag:s29], $0x1  }
0xb3: {  	[sflag:s29] =	ssyncadd.s32 $0xFFFFFFFF  }
0xb4: {  	_ =	strace $0x9000004B  }
0xb5: {  	_ =	sfence  }
0xb6: {  	s30 =	sld [smem:$0x0];
	_ =	sdelay $0x2  }
0xb7: {  	s31 =	sshll.u32 s1, $0xD;
	s1 =	sshrl.u32 s1, $0x2  }
0xb8: {  	s3 =	sand.u32 $0x4000, s31;
	s1 =	sadd.s32 s1, s30  }
0xb9: {  	s0 =	sor.u32 s3, s0;
	s1 =	sshll.u32 s1, $0x11  }
0xba: {  	s0 =	sor.u32 s1, s0  }
0xbb: {  	s0 =	sadd.s32 $0x8F2B, s0  }
0xbc: {  	[sflag:s0] =	ssyncadd.remote.s32 $0x1  }
0xbd: {  	_ =	sfence.sel $0xFFFF  }
0xbe: {  	[dreg:$0x0] =	wrdreg $0xFFFFFFFF;
	(pc) =	sbr.abs _section_cstart, $3  }
0xbf: {  	[dreg:$0x1] =	wrdreg $0xFFFFFFFF  }
0xc0: {  	_ =	task.clear_ibuf [dreg:s6], $0x2FFFF;
	_ =	strace $0x9FFFFFFF  }
0xc1: {  	(tm) =	ssettm $0x7FFFFFFF  }
tec
execute0_lowered:
.L_overlay_start_1:
0x0: {  	(tag) =	ssettag $0x1  }
0x1: {  	s0 =	rddreg [dreg:$0x0]  }
0x2: {  	s1 =	simm.s32 $0x0;
	s2 =	srdreg.scid;
	s5 =	stileid.u32  }
0x3: {  	s11 =	simm.s32 $0x2;
	s12 =	simm.s32 $0x80;
	s28 =	simm.s32 $0x7880  }
0x4: {  	s29 =	simm.s32 $0x8080;
	s30 =	simm.s32 $0x8880;
	s31 =	simm.s32 $0x9080  }
0x5: {  	s13 =	simm.s32 $0xB080;
	s14 =	simm.s32 $0xB880;
	s15 =	simm.s32 $0xC080  }
0x6: {  	s16 =	simm.s32 $0xC880;
	s17 =	simm.s32 $0xD080;
	s18 =	simm.s32 $0xD880  }
0x7: {  	s19 =	simm.s32 $0xE080;
	s20 =	simm.s32 $0xE880;
	s21 =	simm.s32 $0xF080  }
0x8: {  	s22 =	simm.s32 $0xF880;
	s23 =	simm.s32 $0x1;
	s25 =	simm.s32 $0x0  }
0x9: {  	[smem:$0x7FF] =	sst s1;
	s3 =	sadd.s32 $0xE8A00, s0;
	s2 =	sand.u32 $0x1, s2  }
0xa: {  	s4 =	sadd.s32 $0x10800, s0;
	s8 =	sshll.u32 s5, $0x8;
	s6 =	ssub.s32 $0x2, s2  }
0xb: {  	s5 =	sadd.s32 $0x10A00, s0;
	s9 =	sadd.s32 $0xE8D00, s0;
	s7 =	sshrl.u32 s6, $0x1  }
0xc: {  	_ =	strace $0x8000004A;
	s2 =	sshll.u32 s2, $0x7;
	s10 =	ssub.s32 s6, s7  }
0xd: {  	v2 =	vlaneseq.u32;
	s6 =	sor.u32 s2, s8;
	s7 =	sadd.s32 $0xE8B00, s0;
	s8 =	sadd.s32 $0xE8C00, s0  }
0xe: {  	vm0 =	vmmov $0xffff;
	v1 =	vshrl.u32 v2, $0x3;
	s0 =	simm.s32 $0x9880;
	s2 =	simm.s32 $0xA080;
	s26 =	smax.u32 s10, $0x1  }
0xf: {  	v0 =	vand.u32 $0x7, v2;
	v2 =	vor.u32 $0x8, v2;
	v1 =	vmul.u32 $0x8, v1;
	s10 =	simm.s32 $0xA880;
	[dreg:$0x2] =	wrdreg s26;
	s26 =	simm.s32 $0x7080  }
.LBB2_1:
0x10: {  	[dreg:$0x3] =	wrdreg s25;
	p0 =	por $0x1, $0x1;
	s24 =	simm.s32 $0x0  }
.LBB2_2:
0x11: {  	s24 =	sor.u32 s6, s24  }
0x12: {  	s25 =	sshrl.u32 s24, $0x3  }
0x13: {  	s25 =	sadd.s32 s4, s25  }
0x14: {  	[tilespmem:s1], [sflag:$0x2] =	stream.linear.gather [hbm4b:s25+s1], $0x40, $0x38;
	[tilespmem:$0x10080] =	vst v63  }
0x15: {  	_ =	swait.ge [sflag:s11], $0x40  }
0x16: {  	[sflag:s11] =	ssyncset.done $0x0  }
0x17: {  	[sflag:s11] =	ssyncadd.s32 $0xFFFFFFC0  }
0x18: {  	v3 =	vld [tilespmem:$0x0];
	_ =	sdelay $0x4  }
0x19: {  	v4 =	vshll.u32 v3, $0x3  }
0x1a: {  	v3 =	vand.u32 $0x7, v3;
	v4 =	vand.u32 $0xFFFFFFC0, v4  }
0x1b: {  	v3 =	vor.u32 v3, v4  }
0x1c: {  	v4 =	vperm.xlane v3, v0;
	_ =	sdelay $0x1  }
0x1d: {  	v4 =	vadd.s32 v1, v4;
	_ =	sdelay $0x4  }
0x1e: {  	[tilespmem:s12], [sflag:$0x1] =	stream.indirect_vreg.gather [hbm4b:s3+s1], $0x80, v4, vm0, $0xb8;
	[tilespmem:$0x10080] =	vst v63  }
0x1f: {  	s25 =	simm.s32 $0x880;
	v3 =	vperm.xlane v3, v2  }
0x20: {  	[tilespmem:s25], [sflag:$0x1] =	stream.indirect_vreg.gather [hbm4b:s7+s1], $0x80, v4, vm0, $0xb8;
	[tilespmem:$0x10080] =	vst v63  }
0x21: {  	v3 =	vadd.s32 v1, v3;
	s25 =	simm.s32 $0x1080  }
0x22: {  	[tilespmem:s25], [sflag:$0x1] =	stream.indirect_vreg.gather [hbm4b:s8+s1], $0x80, v4, vm0, $0xb8;
	[tilespmem:$0x10080] =	vst v63  }
0x23: {  	s25 =	simm.s32 $0x1880  }
0x24: {  	[tilespmem:s25], [sflag:$0x1] =	stream.indirect_vreg.gather [hbm4b:s9+s1], $0x80, v4, vm0, $0xb8;
	[tilespmem:$0x10080] =	vst v63  }
0x25: {  	s25 =	simm.s32 $0x2080  }
0x26: {  	[tilespmem:s25], [sflag:$0x1] =	stream.indirect_vreg.gather [hbm4b:s3+s1], $0x80, v3, vm0, $0xb8;
	[tilespmem:$0x10080] =	vst v63  }
0x27: {  	s25 =	simm.s32 $0x2880  }
0x28: {  	[tilespmem:s25], [sflag:$0x1] =	stream.indirect_vreg.gather [hbm4b:s7+s1], $0x80, v3, vm0, $0xb8;
	[tilespmem:$0x10080] =	vst v63  }
0x29: {  	s25 =	simm.s32 $0x3080  }
0x2a: {  	[tilespmem:s25], [sflag:$0x1] =	stream.indirect_vreg.gather [hbm4b:s8+s1], $0x80, v3, vm0, $0xb8;
	[tilespmem:$0x10080] =	vst v63  }
0x2b: {  	s25 =	simm.s32 $0x3880  }
0x2c: {  	[tilespmem:s25], [sflag:$0x1] =	stream.indirect_vreg.gather [hbm4b:s9+s1], $0x80, v3, vm0, $0xb8;
	[tilespmem:$0x10080] =	vst v63  }
0x2d: {  	v3 =	vld [tilespmem:$0x10];
	_ =	sdelay $0x4  }
0x2e: {  	v61 =	vshll.u32 v3, $0x3  }
0x2f: {  	v3 =	vand.u32 $0x7, v3;
	v4 =	vand.u32 $0xFFFFFFC0, v61  }
0x30: {  	v3 =	vor.u32 v3, v4  }
0x31: {  	v4 =	vperm.xlane v3, v0;
	_ =	sdelay $0x1  }
0x32: {  	v4 =	vadd.s32 v1, v4;
	_ =	sdelay $0x3  }
0x33: {  	s25 =	simm.s32 $0x4080  }
0x34: {  	[tilespmem:s25], [sflag:$0x1] =	stream.indirect_vreg.gather [hbm4b:s3+s1], $0x80, v4, vm0, $0xb8;
	[tilespmem:$0x10080] =	vst v63  }
0x35: {  	v3 =	vperm.xlane v3, v2;
	s25 =	simm.s32 $0x4880  }
0x36: {  	[tilespmem:s25], [sflag:$0x1] =	stream.indirect_vreg.gather [hbm4b:s7+s1], $0x80, v4, vm0, $0xb8;
	[tilespmem:$0x10080] =	vst v63  }
0x37: {  	v3 =	vadd.s32 v1, v3;
	s25 =	simm.s32 $0x5080  }
0x38: {  	[tilespmem:s25], [sflag:$0x1] =	stream.indirect_vreg.gather [hbm4b:s8+s1], $0x80, v4, vm0, $0xb8;
	[tilespmem:$0x10080] =	vst v63  }
0x39: {  	s25 =	simm.s32 $0x5880  }
0x3a: {  	[tilespmem:s25], [sflag:$0x1] =	stream.indirect_vreg.gather [hbm4b:s9+s1], $0x80, v4, vm0, $0xb8;
	[tilespmem:$0x10080] =	vst v63  }
0x3b: {  	s25 =	simm.s32 $0x6080  }
0x3c: {  	[tilespmem:s25], [sflag:$0x1] =	stream.indirect_vreg.gather [hbm4b:s3+s1], $0x80, v3, vm0, $0xb8;
	[tilespmem:$0x10080] =	vst v63  }
0x3d: {  	s25 =	simm.s32 $0x6880  }
0x3e: {  	[tilespmem:s25], [sflag:$0x1] =	stream.indirect_vreg.gather [hbm4b:s7+s1], $0x80, v3, vm0, $0xb8;
	[tilespmem:$0x10080] =	vst v63  }
0x3f: {  	_ = 	snop  }
0x40: {  	[tilespmem:s26], [sflag:$0x1] =	stream.indirect_vreg.gather [hbm4b:s8+s1], $0x80, v3, vm0, $0xb8;
	[tilespmem:$0x10080] =	vst v63  }
0x41: {  	_ = 	snop  }
0x42: {  	[tilespmem:s28], [sflag:$0x1] =	stream.indirect_vreg.gather [hbm4b:s9+s1], $0x80, v3, vm0, $0xb8;
	[tilespmem:$0x10080] =	vst v63  }
0x43: {  	v3 =	vld [tilespmem:$0x20];
	_ =	sdelay $0x4  }
0x44: {  	v62 =	vshll.u32 v3, $0x3  }
0x45: {  	v3 =	vand.u32 $0x7, v3;
	v4 =	vand.u32 $0xFFFFFFC0, v62  }
0x46: {  	v3 =	vor.u32 v3, v4  }
0x47: {  	v4 =	vperm.xlane v3, v0;
	_ =	sdelay $0x1  }
0x48: {  	v4 =	vadd.s32 v1, v4;
	_ =	sdelay $0x4  }
0x49: {  	[tilespmem:s29], [sflag:$0x1] =	stream.indirect_vreg.gather [hbm4b:s3+s1], $0x80, v4, vm0, $0xb8;
	[tilespmem:$0x10080] =	vst v63  }
0x4a: {  	v3 =	vperm.xlane v3, v2  }
0x4b: {  	[tilespmem:s30], [sflag:$0x1] =	stream.indirect_vreg.gather [hbm4b:s7+s1], $0x80, v4, vm0, $0xb8;
	[tilespmem:$0x10080] =	vst v63  }
0x4c: {  	v3 =	vadd.s32 v1, v3  }
0x4d: {  	[tilespmem:s31], [sflag:$0x1] =	stream.indirect_vreg.gather [hbm4b:s8+s1], $0x80, v4, vm0, $0xb8;
	[tilespmem:$0x10080] =	vst v63  }
0x4e: {  	_ = 	snop  }
0x4f: {  	[tilespmem:s0], [sflag:$0x1] =	stream.indirect_vreg.gather [hbm4b:s9+s1], $0x80, v4, vm0, $0xb8;
	[tilespmem:$0x10080] =	vst v63  }
0x50: {  	_ = 	snop  }
0x51: {  	[tilespmem:s2], [sflag:$0x1] =	stream.indirect_vreg.gather [hbm4b:s3+s1], $0x80, v3, vm0, $0xb8;
	[tilespmem:$0x10080] =	vst v63  }
0x52: {  	_ = 	snop  }
0x53: {  	[tilespmem:s10], [sflag:$0x1] =	stream.indirect_vreg.gather [hbm4b:s7+s1], $0x80, v3, vm0, $0xb8;
	[tilespmem:$0x10080] =	vst v63  }
0x54: {  	_ = 	snop  }
0x55: {  	[tilespmem:s13], [sflag:$0x1] =	stream.indirect_vreg.gather [hbm4b:s8+s1], $0x80, v3, vm0, $0xb8;
	[tilespmem:$0x10080] =	vst v63  }
0x56: {  	_ = 	snop  }
0x57: {  	[tilespmem:s14], [sflag:$0x1] =	stream.indirect_vreg.gather [hbm4b:s9+s1], $0x80, v3, vm0, $0xb8;
	[tilespmem:$0x10080] =	vst v63  }
0x58: {  	v3 =	vld [tilespmem:$0x30];
	_ =	sdelay $0x4  }
0x59: {  	v63 =	vshll.u32 v3, $0x3  }
0x5a: {  	v3 =	vand.u32 $0x7, v3;
	v4 =	vand.u32 $0xFFFFFFC0, v63  }
0x5b: {  	v3 =	vor.u32 v3, v4  }
0x5c: {  	v4 =	vperm.xlane v3, v0;
	_ =	sdelay $0x1  }
0x5d: {  	v4 =	vadd.s32 v1, v4;
	_ =	sdelay $0x4  }
0x5e: {  	[tilespmem:s15], [sflag:$0x1] =	stream.indirect_vreg.gather [hbm4b:s3+s1], $0x80, v4, vm0, $0xb8;
	[tilespmem:$0x10080] =	vst v63  }
0x5f: {  	v3 =	vperm.xlane v3, v2  }
0x60: {  	[tilespmem:s16], [sflag:$0x1] =	stream.indirect_vreg.gather [hbm4b:s7+s1], $0x80, v4, vm0, $0xb8;
	[tilespmem:$0x10080] =	vst v63  }
0x61: {  	v3 =	vadd.s32 v1, v3  }
0x62: {  	[tilespmem:s17], [sflag:$0x1] =	stream.indirect_vreg.gather [hbm4b:s8+s1], $0x80, v4, vm0, $0xb8;
	[tilespmem:$0x10080] =	vst v63  }
0x63: {  	_ = 	snop  }
0x64: {  	[tilespmem:s18], [sflag:$0x1] =	stream.indirect_vreg.gather [hbm4b:s9+s1], $0x80, v4, vm0, $0xb8;
	[tilespmem:$0x10080] =	vst v63  }
0x65: {  	_ = 	snop  }
0x66: {  	[tilespmem:s19], [sflag:$0x1] =	stream.indirect_vreg.gather [hbm4b:s3+s1], $0x80, v3, vm0, $0xb8;
	[tilespmem:$0x10080] =	vst v63  }
0x67: {  	_ = 	snop  }
0x68: {  	[tilespmem:s20], [sflag:$0x1] =	stream.indirect_vreg.gather [hbm4b:s7+s1], $0x80, v3, vm0, $0xb8;
	[tilespmem:$0x10080] =	vst v63  }
0x69: {  	_ = 	snop  }
0x6a: {  	[tilespmem:s21], [sflag:$0x1] =	stream.indirect_vreg.gather [hbm4b:s8+s1], $0x80, v3, vm0, $0xb8;
	[tilespmem:$0x10080] =	vst v63  }
0x6b: {  	_ = 	snop  }
0x6c: {  	[tilespmem:s22], [sflag:$0x1] =	stream.indirect_vreg.gather [hbm4b:s9+s1], $0x80, v3, vm0, $0xb8;
	[tilespmem:$0x10080] =	vst v63  }
0x6d: {  	_ =	swait.ge [sflag:s23], $0x10000  }
0x6e: {  	p1 =	por p0, p0;
	s24 =	sshll.u32 s24, $0x7;
	[sflag:s23] =	ssyncset.done $0x0  }
.Ltmp0:
0x6f: {  	s24 =	sadd.s32 s5, s24;
	[sflag:s23] =	ssyncadd.s32 $0xFFFF0000;
	(pc) =	sbr.rel @p1 .LBB2_2-.Ltmp0, $4  }
0x70: {  	[hbm4b:s24+s1] =	stream.linear.scatter [tilespmem:s12], [sflag:$0x2], $0x10000, $0x38;
	[tilespmem:$0x10080] =	vst v63  }
0x71: {  	_ =	swait.ge [sflag:s11], $0x10000  }
0x72: {  	[sflag:s11] =	ssyncset.done $0x0  }
0x73: {  	p0 =	por $0x0, $0x0;
	s24 =	simm.s32 $0x40;
	[sflag:s11] =	ssyncadd.s32 $0xFFFF0000  }
0x74: {  	s25 =	rddreg [dreg:$0x3]  }
0x75: {  	s24 =	rddreg [dreg:$0x2];
	s25 =	sadd.s32 $0x1, s25  }
0x76: {  	p0 =	sne.s32 s25, s24  }
.Ltmp1:
0x77: {  	_ = 	snop;
	(pc) =	sbr.rel @p0 .LBB2_1-.Ltmp1, $1  }
0x78: {  	_ =	sdelay $0x3  }
0x79: {  	_ =	sfence.sel $0x180000  }
0x7a: {  	[bflag:$0x0] =	sbarrier.arrive $0xFFFF  }
0x7b: {  	_ =	strace $0x9000004A  }
0x7c: {  	s0 =	stileid.u32;
	[bflag:$0x2] =	sbarrier.arrive $0xFFFF  }
0x7d: {  	p0 =	sne.s32 s0, $0x0;
	s0 =	rddreg [dreg:$0x1]  }
0x7e: {  	s0 =	sadd.s32 @!p0 $0x100000, s0  }
0x7f: {  	[sflag:s0] =	ssyncadd.tile.s32 @!p0 $0x1;
	_ =	shalt  }
.Lfunc_end2:
_tile_overlayer_lowered:
.L_overlay_start_2:
0x80: {  	(tag) =	ssettag $0x2  }
0x81: {  	s0 =	rddreg [dreg:$0x0];
	s2 =	stileid.u32  }
0x82: {  	s1 =	rddreg [dreg:$0x1];
	p0 =	sne.s32 s2, $0x0  }
0x83: {  	s3 =	rddreg [dreg:$0x2];
	[bflag:$0x3] =	sbarrier.arrive $0xFFFF;
	s2 =	simm.s32 @!p0 $0x1C02  }
0x84: {  	[timem:s3], [sflag:s2] =	dma.local @!p0 [hbm:s0], s1  }
0x85: {  	s0 =	simm.s32 @!p0 $0x2  }
0x86: {  	_ =	swait.ge @!p0 [sflag:s0], s1  }
0x87: {  	s1 =	ssub.s32 @!p0 $0x0, s1;
	[sflag:s0] =	ssyncset.done @!p0 $0x0  }
0x88: {  	[sflag:s0] =	ssyncadd.s32 @!p0 s1  }
0x89: {  	[bflag:$0x3] =	sbarrier.arrive $0xFFFF  }
0x8a: {  	_ =	shalt  }

</sc_bundles>
